<compile_context>
chip_gen: v7x
topology: tpu7x:2x2x1
jax: 0.10.2.dev20260603
libtpu: 0.0.44.dev20260713+nightly
codegen_flags: <defaults>
</compile_context>

<pallas_src>
import functools

import jax
import jax.numpy as jnp
import numpy as np
from jax import lax
from jax.experimental import pallas as pl
from jax.experimental.pallas import tpu as pltpu
from jax.experimental.pallas import tpu_sc as plsc

BATCH = 1024
SEQ = 200
EDIM = 128
ATTR = 8
NCLS = SEQ // ATTR
NROWS = BATCH * NCLS

_NC, _NS = 2, 16
_NW = _NC * _NS
_CHUNK = 80


def _sc_gather_fn(nrows):
    mesh = plsc.VectorSubcoreMesh(core_axis_name="c", subcore_axis_name="s")
    rpw = nrows // _NW
    nchunk = rpw // _CHUNK

    @functools.partial(
        pl.kernel,
        mesh=mesh,
        out_type=jax.ShapeDtypeStruct((nrows, EDIM), jnp.float32),
        scratch_types=[
            pltpu.VMEM((nchunk, _CHUNK), jnp.int32),
            pltpu.VMEM((rpw, EDIM), jnp.float32),
            pltpu.SemaphoreType.DMA,
        ],
    )
    def sc_gather(idx_hbm, table_hbm, out_hbm, idx_v, rows_v, sem):
        wid = lax.axis_index("s") * _NC + lax.axis_index("c")
        pltpu.sync_copy(idx_hbm.at[wid], idx_v)
        copies = [
            pltpu.async_copy(
                table_hbm.at[idx_v.at[j]],
                rows_v.at[pl.ds(j * _CHUNK, _CHUNK)],
                sem,
            )
            for j in range(nchunk)
        ]
        for c in copies:
            c.wait()
        pltpu.sync_copy(rows_v, out_hbm.at[pl.ds(wid * rpw, rpw)])

    return sc_gather


_BB = 32
_RESTART = 16


def _tc_body(xf_ref, g_ref, o_ref):
    w = xf_ref[...].astype(jnp.float32) * np.float32(np.pi)
    s = jnp.sin(w)
    c = jnp.cos(w)
    slist, clist = [s], [c]
    for k in range(1, EDIM // 2):
        if k % _RESTART == 0:
            ph = w * np.float32(2.0 ** k)
            s = jnp.sin(ph)
            c = jnp.cos(ph)
        else:
            s, c = 2.0 * s * c, c * c - s * s
        slist.append(s)
        clist.append(c)
    S = jnp.stack(slist + clist, axis=0)
    r0 = lax.broadcasted_iota(jnp.int32, (EDIM, EDIM), 0)
    r1 = lax.broadcasted_iota(jnp.int32, (EDIM, EDIM), 1)
    ident = (r0 == r1).astype(jnp.float32)
    O = lax.dot_general(
        S, ident, (((0,), (0,)), ((), ())),
        precision=lax.Precision.DEFAULT,
    )
    O5 = O.reshape(_BB, NCLS, ATTR, EDIM)
    sub = lax.broadcasted_iota(jnp.int32, (_BB, NCLS, ATTR, EDIM), 2)
    o_ref[...] = jnp.where(sub == 0, g_ref[...], O5)


_HBATCH = BATCH // 2
_HGRID = _HBATCH // _BB


def kernel(x, E_class):
    hc = _HBATCH * NCLS
    sc = _sc_gather_fn(hc)
    idx1 = x[:_HBATCH, ::ATTR].reshape(_NW, hc // _NW // _CHUNK, _CHUNK)
    idx2 = x[_HBATCH:, ::ATTR].reshape(_NW, hc // _NW // _CHUNK, _CHUNK)
    g1 = sc(idx1, E_class).reshape(_HBATCH, NCLS, 1, EDIM)
    g2 = sc(idx2, E_class).reshape(_HBATCH, NCLS, 1, EDIM)

    out_shape = jax.ShapeDtypeStruct((BATCH, NCLS, ATTR, EDIM), jnp.float32)
    o1 = pl.pallas_call(
        _tc_body,
        grid=(_HGRID,),
        in_specs=[
            pl.BlockSpec((_BB, SEQ), lambda i: (i, 0)),
            pl.BlockSpec((_BB, NCLS, 1, EDIM), lambda i: (i, 0, 0, 0)),
        ],
        out_specs=pl.BlockSpec((_BB, NCLS, ATTR, EDIM), lambda i: (i, 0, 0, 0)),
        out_shape=out_shape,
    )(x, g1)

    def _tc_body2(xf_ref, g_ref, prev_ref, o_ref):
        _tc_body(xf_ref, g_ref, o_ref)

    out4 = pl.pallas_call(
        _tc_body2,
        grid=(_HGRID,),
        in_specs=[
            pl.BlockSpec((_BB, SEQ), lambda i: (i + _HGRID, 0)),
            pl.BlockSpec((_BB, NCLS, 1, EDIM), lambda i: (i, 0, 0, 0)),
            pl.BlockSpec(memory_space=pltpu.MemorySpace.HBM),
        ],
        out_specs=pl.BlockSpec((_BB, NCLS, ATTR, EDIM), lambda i: (i + _HGRID, 0, 0, 0)),
        out_shape=out_shape,
        input_output_aliases={2: 0},
    )(x, g2, o1)

    return out4.reshape(BATCH, SEQ, EDIM)

# --- scband reference (transcript-rebuilt; emitter-appended) ---
"""Pipeline reference for scband-embedding-23880018165947 (READ-ONLY COPY).

The authoritative reference and input builder live on the scoring server;
editing this copy changes nothing except your own understanding.
"""

import jax, jax.numpy as jnp
import numpy as np

CLASS_NUM = 100000
SEQ_LEN = 200
E_DIMS = 128
ATTR_NUM = 8
BATCH = 1024


def setup_inputs(seed: int = 0) -> dict:
    key = jax.random.key(seed)
    k1, k2 = jax.random.split(key)
    x = jax.random.randint(k1, (BATCH, SEQ_LEN), 0, CLASS_NUM, dtype=jnp.int64 if jax.config.jax_enable_x64 else jnp.int32).astype(jnp.int32)
    E_class = jax.random.normal(k2, (CLASS_NUM, E_DIMS), dtype=jnp.float32)
    return {"x": x, "E_class": E_class}


def reference(x, E_class):
    seq_len = x.shape[1]
    e_dims = E_class.shape[1]
    # masks: 1 at every ATTR_NUM-th position (class slots), 0 elsewhere
    mask = jnp.zeros((seq_len,), dtype=jnp.int32).at[::ATTR_NUM].set(1)
    inv_mask = 1 - mask
    # class (integer) embedding: gather, with non-class positions indexing row 0 then zeroed
    idx = x.astype(jnp.int32) * mask[None, :]
    int_embedding = jnp.take(E_class, idx, axis=0) * mask[None, :, None].astype(jnp.float32)
    # float (sinusoidal) embedding
    angles = jnp.arange(e_dims // 2, dtype=jnp.float32)
    frequencies = (2.0 ** angles) * np.pi
    xf = x.astype(jnp.float32)[..., None]  # [B, S, 1]
    sin_enc = jnp.sin(frequencies * xf)  # [B, S, E/2]
    cos_enc = jnp.cos(frequencies * xf)  # [B, S, E/2]
    # torch.stack([sin, cos], dim=1).reshape(-1, E) per-row => [sin_vec | cos_vec]
    float_embedding = jnp.concatenate([sin_enc, cos_enc], axis=-1)
    float_embedding = float_embedding * inv_mask[None, :, None].astype(jnp.float32)
    # dropout is identity in eval mode
    return int_embedding + float_embedding

if __name__ == "__main__":
    import jax
    _d = setup_inputs()
    print(jax.jit(kernel)(*tuple(_d.values())))

</pallas_src>

<mosaic_0001>
#map = affine_map<(d0, d1) -> (0, 0, 0)>
#map1 = affine_map<(d0, d1) -> (0, 0)>
module attributes {stable_mosaic.version = 14 : i64} {
  func.func @sc_gather(%arg0: i32, %arg1: i32, %arg2: memref<32x5x80xi32, #tpu.memory_space<hbm>>, %arg3: memref<100000x128xf32, #tpu.memory_space<hbm>>, %arg4: memref<12800x128xf32, #tpu.memory_space<hbm>>, %arg5: memref<5x80xi32, #tpu.memory_space<vmem>>, %arg6: memref<400x128xf32, #tpu.memory_space<vmem>>, %arg7: memref<!tpu.dma_semaphore, #tpu.memory_space<semaphore_mem>>) attributes {dimension_semantics = [#tpu.dimension_semantics<core_parallel>, #tpu.dimension_semantics<subcore_parallel>], iteration_bounds = array<i64: 2, 16>, scalar_prefetch = 0 : i64, scratch_operands = 3 : i64, tpu.core_type = #tpu.core_type<sc_vector_subcore>, window_params = [{transform_indices = #map}, {transform_indices = #map1}, {transform_indices = #map1}]} {
    %mul3A = arith.constant 2 : i32
    %mul3A_0 = arith.muli %arg1, %mul3A : i32
    %add3A = arith.addi %mul3A_0, %arg0 : i32
    "tpu.region"() ({
      %run_scoped3A = tpu.sem_alloc : memref<!tpu.dma_semaphore, #tpu.memory_space<semaphore_mem>>
      %dma_start3A_101 = arith.constant 0 : i32
      %dma_start3A_102 = arith.constant 0 : i32
      %dma_start3A_103 = tpu.memref_slice %arg2[%add3A, %dma_start3A_101, %dma_start3A_102] : memref<32x5x80xi32, #tpu.memory_space<hbm>> -> memref<1x5x80xi32, #tpu.memory_space<hbm>>
      %dma_start3A_104 = tpu.memref_squeeze %dma_start3A_103 : memref<1x5x80xi32, #tpu.memory_space<hbm>> -> memref<5x80xi32, #tpu.memory_space<hbm>>
      %dma_start3A_105 = arith.constant 0 : i32
      %dma_start3A_106 = arith.constant 0 : i32
      %dma_start3A_107 = tpu.memref_slice %arg2[%add3A, %dma_start3A_105, %dma_start3A_106] : memref<32x5x80xi32, #tpu.memory_space<hbm>> -> memref<1x5x80xi32, #tpu.memory_space<hbm>>
      %dma_start3A_108 = tpu.memref_squeeze %dma_start3A_107 : memref<1x5x80xi32, #tpu.memory_space<hbm>> -> memref<5x80xi32, #tpu.memory_space<hbm>>
      tpu.enqueue_dma source(%dma_start3A_108 : memref<5x80xi32, #tpu.memory_space<hbm>>) target(%arg5 : memref<5x80xi32, #tpu.memory_space<vmem>>) target_semaphore(%run_scoped3A : memref<!tpu.dma_semaphore, #tpu.memory_space<semaphore_mem>>)
      %dma_wait3A_109 = arith.constant 0 : i32
      %dma_wait3A_110 = arith.constant 0 : i32
      %dma_wait3A_111 = tpu.memref_slice %arg2[%add3A, %dma_wait3A_109, %dma_wait3A_110] : memref<32x5x80xi32, #tpu.memory_space<hbm>> -> memref<1x5x80xi32, #tpu.memory_space<hbm>>
      %dma_wait3A_112 = tpu.memref_squeeze %dma_wait3A_111 : memref<1x5x80xi32, #tpu.memory_space<hbm>> -> memref<5x80xi32, #tpu.memory_space<hbm>>
      %dma_wait3A_113 = arith.constant 0 : i32
      %dma_wait3A_114 = arith.constant 0 : i32
      %dma_wait3A_115 = tpu.memref_slice %arg2[%add3A, %dma_wait3A_113, %dma_wait3A_114] : memref<32x5x80xi32, #tpu.memory_space<hbm>> -> memref<1x5x80xi32, #tpu.memory_space<hbm>>
      %dma_wait3A_116 = tpu.memref_squeeze %dma_wait3A_115 : memref<1x5x80xi32, #tpu.memory_space<hbm>> -> memref<5x80xi32, #tpu.memory_space<hbm>>
      tpu.wait_dma2 semaphore(%run_scoped3A : memref<!tpu.dma_semaphore, #tpu.memory_space<semaphore_mem>>) src(%dma_wait3A_116 : memref<5x80xi32, #tpu.memory_space<hbm>>) dst(%arg5 : memref<5x80xi32, #tpu.memory_space<vmem>>)
      tpu.yield
    }) : () -> ()
    %dma_start3A = arith.constant 0 : i32
    %dma_start3A_1 = arith.constant 0 : i32
    %dma_start3A_2 = arith.constant 0 : i32
    %dma_start3A_3 = tpu.memref_slice %arg6[%dma_start3A_1, %dma_start3A_2] : memref<400x128xf32, #tpu.memory_space<vmem>> -> memref<80x128xf32, #tpu.memory_space<vmem>>
    %dma_start3A_4 = arith.constant 0 : i32
    %dma_start3A_5 = tpu.memref_slice %arg5[%dma_start3A, %dma_start3A_4] : memref<5x80xi32, #tpu.memory_space<vmem>> -> memref<1x80xi32, #tpu.memory_space<vmem>>
    %dma_start3A_6 = tpu.memref_squeeze %dma_start3A_5 : memref<1x80xi32, #tpu.memory_space<vmem>> -> memref<80xi32, #tpu.memory_space<vmem>>
    %dma_start3A_7 = arith.constant 0 : i32
    %dma_start3A_8 = arith.constant 0 : i32
    %dma_start3A_9 = tpu.memref_slice %arg3[%dma_start3A_7, %dma_start3A_8] : memref<100000x128xf32, #tpu.memory_space<hbm>> -> memref<100000x128xf32, #tpu.memory_space<hbm>>
    tpu.enqueue_indirect_dma source(%dma_start3A_9 : memref<100000x128xf32, #tpu.memory_space<hbm>>) target(%dma_start3A_3 : memref<80x128xf32, #tpu.memory_space<vmem>>) offsets(%dma_start3A_6 : memref<80xi32, #tpu.memory_space<vmem>>) semaphore(%arg7 : memref<!tpu.dma_semaphore, #tpu.memory_space<semaphore_mem>>)
    %dma_start3A_10 = arith.constant 1 : i32
    %dma_start3A_11 = arith.constant 80 : i32
    %dma_start3A_12 = arith.constant 0 : i32
    %dma_start3A_13 = tpu.memref_slice %arg6[%dma_start3A_11, %dma_start3A_12] : memref<400x128xf32, #tpu.memory_space<vmem>> -> memref<80x128xf32, #tpu.memory_space<vmem>>
    %dma_start3A_14 = arith.constant 0 : i32
    %dma_start3A_15 = tpu.memref_slice %arg5[%dma_start3A_10, %dma_start3A_14] : memref<5x80xi32, #tpu.memory_space<vmem>> -> memref<1x80xi32, #tpu.memory_space<vmem>>
    %dma_start3A_16 = tpu.memref_squeeze %dma_start3A_15 : memref<1x80xi32, #tpu.memory_space<vmem>> -> memref<80xi32, #tpu.memory_space<vmem>>
    %dma_start3A_17 = arith.constant 0 : i32
    %dma_start3A_18 = arith.constant 0 : i32
    %dma_start3A_19 = tpu.memref_slice %arg3[%dma_start3A_17, %dma_start3A_18] : memref<100000x128xf32, #tpu.memory_space<hbm>> -> memref<100000x128xf32, #tpu.memory_space<hbm>>
    tpu.enqueue_indirect_dma source(%dma_start3A_19 : memref<100000x128xf32, #tpu.memory_space<hbm>>) target(%dma_start3A_13 : memref<80x128xf32, #tpu.memory_space<vmem>>) offsets(%dma_start3A_16 : memref<80xi32, #tpu.memory_space<vmem>>) semaphore(%arg7 : memref<!tpu.dma_semaphore, #tpu.memory_space<semaphore_mem>>)
    %dma_start3A_20 = arith.constant 2 : i32
    %dma_start3A_21 = arith.constant 160 : i32
    %dma_start3A_22 = arith.constant 0 : i32
    %dma_start3A_23 = tpu.memref_slice %arg6[%dma_start3A_21, %dma_start3A_22] : memref<400x128xf32, #tpu.memory_space<vmem>> -> memref<80x128xf32, #tpu.memory_space<vmem>>
    %dma_start3A_24 = arith.constant 0 : i32
    %dma_start3A_25 = tpu.memref_slice %arg5[%dma_start3A_20, %dma_start3A_24] : memref<5x80xi32, #tpu.memory_space<vmem>> -> memref<1x80xi32, #tpu.memory_space<vmem>>
    %dma_start3A_26 = tpu.memref_squeeze %dma_start3A_25 : memref<1x80xi32, #tpu.memory_space<vmem>> -> memref<80xi32, #tpu.memory_space<vmem>>
    %dma_start3A_27 = arith.constant 0 : i32
    %dma_start3A_28 = arith.constant 0 : i32
    %dma_start3A_29 = tpu.memref_slice %arg3[%dma_start3A_27, %dma_start3A_28] : memref<100000x128xf32, #tpu.memory_space<hbm>> -> memref<100000x128xf32, #tpu.memory_space<hbm>>
    tpu.enqueue_indirect_dma source(%dma_start3A_29 : memref<100000x128xf32, #tpu.memory_space<hbm>>) target(%dma_start3A_23 : memref<80x128xf32, #tpu.memory_space<vmem>>) offsets(%dma_start3A_26 : memref<80xi32, #tpu.memory_space<vmem>>) semaphore(%arg7 : memref<!tpu.dma_semaphore, #tpu.memory_space<semaphore_mem>>)
    %dma_start3A_30 = arith.constant 3 : i32
    %dma_start3A_31 = arith.constant 240 : i32
    %dma_start3A_32 = arith.constant 0 : i32
    %dma_start3A_33 = tpu.memref_slice %arg6[%dma_start3A_31, %dma_start3A_32] : memref<400x128xf32, #tpu.memory_space<vmem>> -> memref<80x128xf32, #tpu.memory_space<vmem>>
    %dma_start3A_34 = arith.constant 0 : i32
    %dma_start3A_35 = tpu.memref_slice %arg5[%dma_start3A_30, %dma_start3A_34] : memref<5x80xi32, #tpu.memory_space<vmem>> -> memref<1x80xi32, #tpu.memory_space<vmem>>
    %dma_start3A_36 = tpu.memref_squeeze %dma_start3A_35 : memref<1x80xi32, #tpu.memory_space<vmem>> -> memref<80xi32, #tpu.memory_space<vmem>>
    %dma_start3A_37 = arith.constant 0 : i32
    %dma_start3A_38 = arith.constant 0 : i32
    %dma_start3A_39 = tpu.memref_slice %arg3[%dma_start3A_37, %dma_start3A_38] : memref<100000x128xf32, #tpu.memory_space<hbm>> -> memref<100000x128xf32, #tpu.memory_space<hbm>>
    tpu.enqueue_indirect_dma source(%dma_start3A_39 : memref<100000x128xf32, #tpu.memory_space<hbm>>) target(%dma_start3A_33 : memref<80x128xf32, #tpu.memory_space<vmem>>) offsets(%dma_start3A_36 : memref<80xi32, #tpu.memory_space<vmem>>) semaphore(%arg7 : memref<!tpu.dma_semaphore, #tpu.memory_space<semaphore_mem>>)
    %dma_start3A_40 = arith.constant 4 : i32
    %dma_start3A_41 = arith.constant 320 : i32
    %dma_start3A_42 = arith.constant 0 : i32
    %dma_start3A_43 = tpu.memref_slice %arg6[%dma_start3A_41, %dma_start3A_42] : memref<400x128xf32, #tpu.memory_space<vmem>> -> memref<80x128xf32, #tpu.memory_space<vmem>>
    %dma_start3A_44 = arith.constant 0 : i32
    %dma_start3A_45 = tpu.memref_slice %arg5[%dma_start3A_40, %dma_start3A_44] : memref<5x80xi32, #tpu.memory_space<vmem>> -> memref<1x80xi32, #tpu.memory_space<vmem>>
    %dma_start3A_46 = tpu.memref_squeeze %dma_start3A_45 : memref<1x80xi32, #tpu.memory_space<vmem>> -> memref<80xi32, #tpu.memory_space<vmem>>
    %dma_start3A_47 = arith.constant 0 : i32
    %dma_start3A_48 = arith.constant 0 : i32
    %dma_start3A_49 = tpu.memref_slice %arg3[%dma_start3A_47, %dma_start3A_48] : memref<100000x128xf32, #tpu.memory_space<hbm>> -> memref<100000x128xf32, #tpu.memory_space<hbm>>
    tpu.enqueue_indirect_dma source(%dma_start3A_49 : memref<100000x128xf32, #tpu.memory_space<hbm>>) target(%dma_start3A_43 : memref<80x128xf32, #tpu.memory_space<vmem>>) offsets(%dma_start3A_46 : memref<80xi32, #tpu.memory_space<vmem>>) semaphore(%arg7 : memref<!tpu.dma_semaphore, #tpu.memory_space<semaphore_mem>>)
    %dma_wait3A = arith.constant 0 : i32
    %dma_wait3A_50 = arith.constant 0 : i32
    %dma_wait3A_51 = arith.constant 0 : i32
    %dma_wait3A_52 = tpu.memref_slice %arg6[%dma_wait3A_50, %dma_wait3A_51] : memref<400x128xf32, #tpu.memory_space<vmem>> -> memref<80x128xf32, #tpu.memory_space<vmem>>
    %dma_wait3A_53 = arith.constant 0 : i32
    %dma_wait3A_54 = tpu.memref_slice %arg5[%dma_wait3A, %dma_wait3A_53] : memref<5x80xi32, #tpu.memory_space<vmem>> -> memref<1x80xi32, #tpu.memory_space<vmem>>
    %dma_wait3A_55 = tpu.memref_squeeze %dma_wait3A_54 : memref<1x80xi32, #tpu.memory_space<vmem>> -> memref<80xi32, #tpu.memory_space<vmem>>
    %dma_wait3A_56 = arith.constant 0 : i32
    %dma_wait3A_57 = arith.constant 0 : i32
    %dma_wait3A_58 = tpu.memref_slice %arg3[%dma_wait3A_56, %dma_wait3A_57] : memref<100000x128xf32, #tpu.memory_space<hbm>> -> memref<100000x128xf32, #tpu.memory_space<hbm>>
    tpu.wait_indirect_dma semaphore(%arg7 : memref<!tpu.dma_semaphore, #tpu.memory_space<semaphore_mem>>) src(%dma_wait3A_58 : memref<100000x128xf32, #tpu.memory_space<hbm>>) dst(%dma_wait3A_52 : memref<80x128xf32, #tpu.memory_space<vmem>>)
    %dma_wait3A_59 = arith.constant 1 : i32
    %dma_wait3A_60 = arith.constant 80 : i32
    %dma_wait3A_61 = arith.constant 0 : i32
    %dma_wait3A_62 = tpu.memref_slice %arg6[%dma_wait3A_60, %dma_wait3A_61] : memref<400x128xf32, #tpu.memory_space<vmem>> -> memref<80x128xf32, #tpu.memory_space<vmem>>
    %dma_wait3A_63 = arith.constant 0 : i32
    %dma_wait3A_64 = tpu.memref_slice %arg5[%dma_wait3A_59, %dma_wait3A_63] : memref<5x80xi32, #tpu.memory_space<vmem>> -> memref<1x80xi32, #tpu.memory_space<vmem>>
    %dma_wait3A_65 = tpu.memref_squeeze %dma_wait3A_64 : memref<1x80xi32, #tpu.memory_space<vmem>> -> memref<80xi32, #tpu.memory_space<vmem>>
    %dma_wait3A_66 = arith.constant 0 : i32
    %dma_wait3A_67 = arith.constant 0 : i32
    %dma_wait3A_68 = tpu.memref_slice %arg3[%dma_wait3A_66, %dma_wait3A_67] : memref<100000x128xf32, #tpu.memory_space<hbm>> -> memref<100000x128xf32, #tpu.memory_space<hbm>>
    tpu.wait_indirect_dma semaphore(%arg7 : memref<!tpu.dma_semaphore, #tpu.memory_space<semaphore_mem>>) src(%dma_wait3A_68 : memref<100000x128xf32, #tpu.memory_space<hbm>>) dst(%dma_wait3A_62 : memref<80x128xf32, #tpu.memory_space<vmem>>)
    %dma_wait3A_69 = arith.constant 2 : i32
    %dma_wait3A_70 = arith.constant 160 : i32
    %dma_wait3A_71 = arith.constant 0 : i32
    %dma_wait3A_72 = tpu.memref_slice %arg6[%dma_wait3A_70, %dma_wait3A_71] : memref<400x128xf32, #tpu.memory_space<vmem>> -> memref<80x128xf32, #tpu.memory_space<vmem>>
    %dma_wait3A_73 = arith.constant 0 : i32
    %dma_wait3A_74 = tpu.memref_slice %arg5[%dma_wait3A_69, %dma_wait3A_73] : memref<5x80xi32, #tpu.memory_space<vmem>> -> memref<1x80xi32, #tpu.memory_space<vmem>>
    %dma_wait3A_75 = tpu.memref_squeeze %dma_wait3A_74 : memref<1x80xi32, #tpu.memory_space<vmem>> -> memref<80xi32, #tpu.memory_space<vmem>>
    %dma_wait3A_76 = arith.constant 0 : i32
    %dma_wait3A_77 = arith.constant 0 : i32
    %dma_wait3A_78 = tpu.memref_slice %arg3[%dma_wait3A_76, %dma_wait3A_77] : memref<100000x128xf32, #tpu.memory_space<hbm>> -> memref<100000x128xf32, #tpu.memory_space<hbm>>
    tpu.wait_indirect_dma semaphore(%arg7 : memref<!tpu.dma_semaphore, #tpu.memory_space<semaphore_mem>>) src(%dma_wait3A_78 : memref<100000x128xf32, #tpu.memory_space<hbm>>) dst(%dma_wait3A_72 : memref<80x128xf32, #tpu.memory_space<vmem>>)
    %dma_wait3A_79 = arith.constant 3 : i32
    %dma_wait3A_80 = arith.constant 240 : i32
    %dma_wait3A_81 = arith.constant 0 : i32
    %dma_wait3A_82 = tpu.memref_slice %arg6[%dma_wait3A_80, %dma_wait3A_81] : memref<400x128xf32, #tpu.memory_space<vmem>> -> memref<80x128xf32, #tpu.memory_space<vmem>>
    %dma_wait3A_83 = arith.constant 0 : i32
    %dma_wait3A_84 = tpu.memref_slice %arg5[%dma_wait3A_79, %dma_wait3A_83] : memref<5x80xi32, #tpu.memory_space<vmem>> -> memref<1x80xi32, #tpu.memory_space<vmem>>
    %dma_wait3A_85 = tpu.memref_squeeze %dma_wait3A_84 : memref<1x80xi32, #tpu.memory_space<vmem>> -> memref<80xi32, #tpu.memory_space<vmem>>
    %dma_wait3A_86 = arith.constant 0 : i32
    %dma_wait3A_87 = arith.constant 0 : i32
    %dma_wait3A_88 = tpu.memref_slice %arg3[%dma_wait3A_86, %dma_wait3A_87] : memref<100000x128xf32, #tpu.memory_space<hbm>> -> memref<100000x128xf32, #tpu.memory_space<hbm>>
    tpu.wait_indirect_dma semaphore(%arg7 : memref<!tpu.dma_semaphore, #tpu.memory_space<semaphore_mem>>) src(%dma_wait3A_88 : memref<100000x128xf32, #tpu.memory_space<hbm>>) dst(%dma_wait3A_82 : memref<80x128xf32, #tpu.memory_space<vmem>>)
    %dma_wait3A_89 = arith.constant 4 : i32
    %dma_wait3A_90 = arith.constant 320 : i32
    %dma_wait3A_91 = arith.constant 0 : i32
    %dma_wait3A_92 = tpu.memref_slice %arg6[%dma_wait3A_90, %dma_wait3A_91] : memref<400x128xf32, #tpu.memory_space<vmem>> -> memref<80x128xf32, #tpu.memory_space<vmem>>
    %dma_wait3A_93 = arith.constant 0 : i32
    %dma_wait3A_94 = tpu.memref_slice %arg5[%dma_wait3A_89, %dma_wait3A_93] : memref<5x80xi32, #tpu.memory_space<vmem>> -> memref<1x80xi32, #tpu.memory_space<vmem>>
    %dma_wait3A_95 = tpu.memref_squeeze %dma_wait3A_94 : memref<1x80xi32, #tpu.memory_space<vmem>> -> memref<80xi32, #tpu.memory_space<vmem>>
    %dma_wait3A_96 = arith.constant 0 : i32
    %dma_wait3A_97 = arith.constant 0 : i32
    %dma_wait3A_98 = tpu.memref_slice %arg3[%dma_wait3A_96, %dma_wait3A_97] : memref<100000x128xf32, #tpu.memory_space<hbm>> -> memref<100000x128xf32, #tpu.memory_space<hbm>>
    tpu.wait_indirect_dma semaphore(%arg7 : memref<!tpu.dma_semaphore, #tpu.memory_space<semaphore_mem>>) src(%dma_wait3A_98 : memref<100000x128xf32, #tpu.memory_space<hbm>>) dst(%dma_wait3A_92 : memref<80x128xf32, #tpu.memory_space<vmem>>)
    %mul3A_99 = arith.constant 400 : i32
    %mul3A_100 = arith.muli %add3A, %mul3A_99 : i32
    "tpu.region"() ({
      %run_scoped3A = tpu.sem_alloc : memref<!tpu.dma_semaphore, #tpu.memory_space<semaphore_mem>>
      %dma_start3A_101 = arith.constant 0 : i32
      %dma_start3A_102 = tpu.memref_slice %arg4[%mul3A_100, %dma_start3A_101] : memref<12800x128xf32, #tpu.memory_space<hbm>> -> memref<400x128xf32, #tpu.memory_space<hbm>>
      %dma_start3A_103 = arith.constant 0 : i32
      %dma_start3A_104 = tpu.memref_slice %arg4[%mul3A_100, %dma_start3A_103] : memref<12800x128xf32, #tpu.memory_space<hbm>> -> memref<400x128xf32, #tpu.memory_space<hbm>>
      tpu.enqueue_dma source(%arg6 : memref<400x128xf32, #tpu.memory_space<vmem>>) target(%dma_start3A_104 : memref<400x128xf32, #tpu.memory_space<hbm>>) target_semaphore(%run_scoped3A : memref<!tpu.dma_semaphore, #tpu.memory_space<semaphore_mem>>)
      %dma_wait3A_105 = arith.constant 0 : i32
      %dma_wait3A_106 = tpu.memref_slice %arg4[%mul3A_100, %dma_wait3A_105] : memref<12800x128xf32, #tpu.memory_space<hbm>> -> memref<400x128xf32, #tpu.memory_space<hbm>>
      %dma_wait3A_107 = arith.constant 0 : i32
      %dma_wait3A_108 = tpu.memref_slice %arg4[%mul3A_100, %dma_wait3A_107] : memref<12800x128xf32, #tpu.memory_space<hbm>> -> memref<400x128xf32, #tpu.memory_space<hbm>>
      tpu.wait_dma2 semaphore(%run_scoped3A : memref<!tpu.dma_semaphore, #tpu.memory_space<semaphore_mem>>) src(%arg6 : memref<400x128xf32, #tpu.memory_space<vmem>>) dst(%dma_wait3A_108 : memref<400x128xf32, #tpu.memory_space<hbm>>)
      tpu.yield
    }) : () -> ()
    return
  }
}

#map = affine_map<(d0, d1) -> (0, 0, 0)>
#map1 = affine_map<(d0, d1) -> (0, 0)>
module attributes {stable_mosaic.version = 14 : i64} {
  func.func @sc_gather(%arg0: i32, %arg1: i32, %arg2: memref<32x5x80xi32, #tpu.memory_space<hbm>>, %arg3: memref<100000x128xf32, #tpu.memory_space<hbm>>, %arg4: memref<12800x128xf32, #tpu.memory_space<hbm>>, %arg5: memref<5x80xi32, #tpu.memory_space<vmem>>, %arg6: memref<400x128xf32, #tpu.memory_space<vmem>>, %arg7: memref<!tpu.dma_semaphore, #tpu.memory_space<semaphore_mem>>) attributes {dimension_semantics = [#tpu.dimension_semantics<core_parallel>, #tpu.dimension_semantics<subcore_parallel>], iteration_bounds = array<i64: 2, 16>, scalar_prefetch = 0 : i64, scratch_operands = 3 : i64, tpu.core_type = #tpu.core_type<sc_vector_subcore>, window_params = [{transform_indices = #map}, {transform_indices = #map1}, {transform_indices = #map1}]} {
    %mul3A = arith.constant 2 : i32
    %mul3A_0 = arith.muli %arg1, %mul3A : i32
    %add3A = arith.addi %mul3A_0, %arg0 : i32
    "tpu.region"() ({
      %run_scoped3A = tpu.sem_alloc : memref<!tpu.dma_semaphore, #tpu.memory_space<semaphore_mem>>
      %dma_start3A_101 = arith.constant 0 : i32
      %dma_start3A_102 = arith.constant 0 : i32
      %dma_start3A_103 = tpu.memref_slice %arg2[%add3A, %dma_start3A_101, %dma_start3A_102] : memref<32x5x80xi32, #tpu.memory_space<hbm>> -> memref<1x5x80xi32, #tpu.memory_space<hbm>>
      %dma_start3A_104 = tpu.memref_squeeze %dma_start3A_103 : memref<1x5x80xi32, #tpu.memory_space<hbm>> -> memref<5x80xi32, #tpu.memory_space<hbm>>
      %dma_start3A_105 = arith.constant 0 : i32
      %dma_start3A_106 = arith.constant 0 : i32
      %dma_start3A_107 = tpu.memref_slice %arg2[%add3A, %dma_start3A_105, %dma_start3A_106] : memref<32x5x80xi32, #tpu.memory_space<hbm>> -> memref<1x5x80xi32, #tpu.memory_space<hbm>>
      %dma_start3A_108 = tpu.memref_squeeze %dma_start3A_107 : memref<1x5x80xi32, #tpu.memory_space<hbm>> -> memref<5x80xi32, #tpu.memory_space<hbm>>
      tpu.enqueue_dma source(%dma_start3A_108 : memref<5x80xi32, #tpu.memory_space<hbm>>) target(%arg5 : memref<5x80xi32, #tpu.memory_space<vmem>>) target_semaphore(%run_scoped3A : memref<!tpu.dma_semaphore, #tpu.memory_space<semaphore_mem>>)
      %dma_wait3A_109 = arith.constant 0 : i32
      %dma_wait3A_110 = arith.constant 0 : i32
      %dma_wait3A_111 = tpu.memref_slice %arg2[%add3A, %dma_wait3A_109, %dma_wait3A_110] : memref<32x5x80xi32, #tpu.memory_space<hbm>> -> memref<1x5x80xi32, #tpu.memory_space<hbm>>
      %dma_wait3A_112 = tpu.memref_squeeze %dma_wait3A_111 : memref<1x5x80xi32, #tpu.memory_space<hbm>> -> memref<5x80xi32, #tpu.memory_space<hbm>>
      %dma_wait3A_113 = arith.constant 0 : i32
      %dma_wait3A_114 = arith.constant 0 : i32
      %dma_wait3A_115 = tpu.memref_slice %arg2[%add3A, %dma_wait3A_113, %dma_wait3A_114] : memref<32x5x80xi32, #tpu.memory_space<hbm>> -> memref<1x5x80xi32, #tpu.memory_space<hbm>>
      %dma_wait3A_116 = tpu.memref_squeeze %dma_wait3A_115 : memref<1x5x80xi32, #tpu.memory_space<hbm>> -> memref<5x80xi32, #tpu.memory_space<hbm>>
      tpu.wait_dma2 semaphore(%run_scoped3A : memref<!tpu.dma_semaphore, #tpu.memory_space<semaphore_mem>>) src(%dma_wait3A_116 : memref<5x80xi32, #tpu.memory_space<hbm>>) dst(%arg5 : memref<5x80xi32, #tpu.memory_space<vmem>>)
      tpu.yield
    }) : () -> ()
    %dma_start3A = arith.constant 0 : i32
    %dma_start3A_1 = arith.constant 0 : i32
    %dma_start3A_2 = arith.constant 0 : i32
    %dma_start3A_3 = tpu.memref_slice %arg6[%dma_start3A_1, %dma_start3A_2] : memref<400x128xf32, #tpu.memory_space<vmem>> -> memref<80x128xf32, #tpu.memory_space<vmem>>
    %dma_start3A_4 = arith.constant 0 : i32
    %dma_start3A_5 = tpu.memref_slice %arg5[%dma_start3A, %dma_start3A_4] : memref<5x80xi32, #tpu.memory_space<vmem>> -> memref<1x80xi32, #tpu.memory_space<vmem>>
    %dma_start3A_6 = tpu.memref_squeeze %dma_start3A_5 : memref<1x80xi32, #tpu.memory_space<vmem>> -> memref<80xi32, #tpu.memory_space<vmem>>
    %dma_start3A_7 = arith.constant 0 : i32
    %dma_start3A_8 = arith.constant 0 : i32
    %dma_start3A_9 = tpu.memref_slice %arg3[%dma_start3A_7, %dma_start3A_8] : memref<100000x128xf32, #tpu.memory_space<hbm>> -> memref<100000x128xf32, #tpu.memory_space<hbm>>
    tpu.enqueue_indirect_dma source(%dma_start3A_9 : memref<100000x128xf32, #tpu.memory_space<hbm>>) target(%dma_start3A_3 : memref<80x128xf32, #tpu.memory_space<vmem>>) offsets(%dma_start3A_6 : memref<80xi32, #tpu.memory_space<vmem>>) semaphore(%arg7 : memref<!tpu.dma_semaphore, #tpu.memory_space<semaphore_mem>>)
    %dma_start3A_10 = arith.constant 1 : i32
    %dma_start3A_11 = arith.constant 80 : i32
    %dma_start3A_12 = arith.constant 0 : i32
    %dma_start3A_13 = tpu.memref_slice %arg6[%dma_start3A_11, %dma_start3A_12] : memref<400x128xf32, #tpu.memory_space<vmem>> -> memref<80x128xf32, #tpu.memory_space<vmem>>
    %dma_start3A_14 = arith.constant 0 : i32
    %dma_start3A_15 = tpu.memref_slice %arg5[%dma_start3A_10, %dma_start3A_14] : memref<5x80xi32, #tpu.memory_space<vmem>> -> memref<1x80xi32, #tpu.memory_space<vmem>>
    %dma_start3A_16 = tpu.memref_squeeze %dma_start3A_15 : memref<1x80xi32, #tpu.memory_space<vmem>> -> memref<80xi32, #tpu.memory_space<vmem>>
    %dma_start3A_17 = arith.constant 0 : i32
    %dma_start3A_18 = arith.constant 0 : i32
    %dma_start3A_19 = tpu.memref_slice %arg3[%dma_start3A_17, %dma_start3A_18] : memref<100000x128xf32, #tpu.memory_space<hbm>> -> memref<100000x128xf32, #tpu.memory_space<hbm>>
    tpu.enqueue_indirect_dma source(%dma_start3A_19 : memref<100000x128xf32, #tpu.memory_space<hbm>>) target(%dma_start3A_13 : memref<80x128xf32, #tpu.memory_space<vmem>>) offsets(%dma_start3A_16 : memref<80xi32, #tpu.memory_space<vmem>>) semaphore(%arg7 : memref<!tpu.dma_semaphore, #tpu.memory_space<semaphore_mem>>)
    %dma_start3A_20 = arith.constant 2 : i32
    %dma_start3A_21 = arith.constant 160 : i32
    %dma_start3A_22 = arith.constant 0 : i32
    %dma_start3A_23 = tpu.memref_slice %arg6[%dma_start3A_21, %dma_start3A_22] : memref<400x128xf32, #tpu.memory_space<vmem>> -> memref<80x128xf32, #tpu.memory_space<vmem>>
    %dma_start3A_24 = arith.constant 0 : i32
    %dma_start3A_25 = tpu.memref_slice %arg5[%dma_start3A_20, %dma_start3A_24] : memref<5x80xi32, #tpu.memory_space<vmem>> -> memref<1x80xi32, #tpu.memory_space<vmem>>
    %dma_start3A_26 = tpu.memref_squeeze %dma_start3A_25 : memref<1x80xi32, #tpu.memory_space<vmem>> -> memref<80xi32, #tpu.memory_space<vmem>>
    %dma_start3A_27 = arith.constant 0 : i32
    %dma_start3A_28 = arith.constant 0 : i32
    %dma_start3A_29 = tpu.memref_slice %arg3[%dma_start3A_27, %dma_start3A_28] : memref<100000x128xf32, #tpu.memory_space<hbm>> -> memref<100000x128xf32, #tpu.memory_space<hbm>>
    tpu.enqueue_indirect_dma source(%dma_start3A_29 : memref<100000x128xf32, #tpu.memory_space<hbm>>) target(%dma_start3A_23 : memref<80x128xf32, #tpu.memory_space<vmem>>) offsets(%dma_start3A_26 : memref<80xi32, #tpu.memory_space<vmem>>) semaphore(%arg7 : memref<!tpu.dma_semaphore, #tpu.memory_space<semaphore_mem>>)
    %dma_start3A_30 = arith.constant 3 : i32
    %dma_start3A_31 = arith.constant 240 : i32
    %dma_start3A_32 = arith.constant 0 : i32
    %dma_start3A_33 = tpu.memref_slice %arg6[%dma_start3A_31, %dma_start3A_32] : memref<400x128xf32, #tpu.memory_space<vmem>> -> memref<80x128xf32, #tpu.memory_space<vmem>>
    %dma_start3A_34 = arith.constant 0 : i32
    %dma_start3A_35 = tpu.memref_slice %arg5[%dma_start3A_30, %dma_start3A_34] : memref<5x80xi32, #tpu.memory_space<vmem>> -> memref<1x80xi32, #tpu.memory_space<vmem>>
    %dma_start3A_36 = tpu.memref_squeeze %dma_start3A_35 : memref<1x80xi32, #tpu.memory_space<vmem>> -> memref<80xi32, #tpu.memory_space<vmem>>
    %dma_start3A_37 = arith.constant 0 : i32
    %dma_start3A_38 = arith.constant 0 : i32
    %dma_start3A_39 = tpu.memref_slice %arg3[%dma_start3A_37, %dma_start3A_38] : memref<100000x128xf32, #tpu.memory_space<hbm>> -> memref<100000x128xf32, #tpu.memory_space<hbm>>
    tpu.enqueue_indirect_dma source(%dma_start3A_39 : memref<100000x128xf32, #tpu.memory_space<hbm>>) target(%dma_start3A_33 : memref<80x128xf32, #tpu.memory_space<vmem>>) offsets(%dma_start3A_36 : memref<80xi32, #tpu.memory_space<vmem>>) semaphore(%arg7 : memref<!tpu.dma_semaphore, #tpu.memory_space<semaphore_mem>>)
    %dma_start3A_40 = arith.constant 4 : i32
    %dma_start3A_41 = arith.constant 320 : i32
    %dma_start3A_42 = arith.constant 0 : i32
    %dma_start3A_43 = tpu.memref_slice %arg6[%dma_start3A_41, %dma_start3A_42] : memref<400x128xf32, #tpu.memory_space<vmem>> -> memref<80x128xf32, #tpu.memory_space<vmem>>
    %dma_start3A_44 = arith.constant 0 : i32
    %dma_start3A_45 = tpu.memref_slice %arg5[%dma_start3A_40, %dma_start3A_44] : memref<5x80xi32, #tpu.memory_space<vmem>> -> memref<1x80xi32, #tpu.memory_space<vmem>>
    %dma_start3A_46 = tpu.memref_squeeze %dma_start3A_45 : memref<1x80xi32, #tpu.memory_space<vmem>> -> memref<80xi32, #tpu.memory_space<vmem>>
    %dma_start3A_47 = arith.constant 0 : i32
    %dma_start3A_48 = arith.constant 0 : i32
    %dma_start3A_49 = tpu.memref_slice %arg3[%dma_start3A_47, %dma_start3A_48] : memref<100000x128xf32, #tpu.memory_space<hbm>> -> memref<100000x128xf32, #tpu.memory_space<hbm>>
    tpu.enqueue_indirect_dma source(%dma_start3A_49 : memref<100000x128xf32, #tpu.memory_space<hbm>>) target(%dma_start3A_43 : memref<80x128xf32, #tpu.memory_space<vmem>>) offsets(%dma_start3A_46 : memref<80xi32, #tpu.memory_space<vmem>>) semaphore(%arg7 : memref<!tpu.dma_semaphore, #tpu.memory_space<semaphore_mem>>)
    %dma_wait3A = arith.constant 0 : i32
    %dma_wait3A_50 = arith.constant 0 : i32
    %dma_wait3A_51 = arith.constant 0 : i32
    %dma_wait3A_52 = tpu.memref_slice %arg6[%dma_wait3A_50, %dma_wait3A_51] : memref<400x128xf32, #tpu.memory_space<vmem>> -> memref<80x128xf32, #tpu.memory_space<vmem>>
    %dma_wait3A_53 = arith.constant 0 : i32
    %dma_wait3A_54 = tpu.memref_slice %arg5[%dma_wait3A, %dma_wait3A_53] : memref<5x80xi32, #tpu.memory_space<vmem>> -> memref<1x80xi32, #tpu.memory_space<vmem>>
    %dma_wait3A_55 = tpu.memref_squeeze %dma_wait3A_54 : memref<1x80xi32, #tpu.memory_space<vmem>> -> memref<80xi32, #tpu.memory_space<vmem>>
    %dma_wait3A_56 = arith.constant 0 : i32
    %dma_wait3A_57 = arith.constant 0 : i32
    %dma_wait3A_58 = tpu.memref_slice %arg3[%dma_wait3A_56, %dma_wait3A_57] : memref<100000x128xf32, #tpu.memory_space<hbm>> -> memref<100000x128xf32, #tpu.memory_space<hbm>>
    tpu.wait_indirect_dma semaphore(%arg7 : memref<!tpu.dma_semaphore, #tpu.memory_space<semaphore_mem>>) src(%dma_wait3A_58 : memref<100000x128xf32, #tpu.memory_space<hbm>>) dst(%dma_wait3A_52 : memref<80x128xf32, #tpu.memory_space<vmem>>)
    %dma_wait3A_59 = arith.constant 1 : i32
    %dma_wait3A_60 = arith.constant 80 : i32
    %dma_wait3A_61 = arith.constant 0 : i32
    %dma_wait3A_62 = tpu.memref_slice %arg6[%dma_wait3A_60, %dma_wait3A_61] : memref<400x128xf32, #tpu.memory_space<vmem>> -> memref<80x128xf32, #tpu.memory_space<vmem>>
    %dma_wait3A_63 = arith.constant 0 : i32
    %dma_wait3A_64 = tpu.memref_slice %arg5[%dma_wait3A_59, %dma_wait3A_63] : memref<5x80xi32, #tpu.memory_space<vmem>> -> memref<1x80xi32, #tpu.memory_space<vmem>>
    %dma_wait3A_65 = tpu.memref_squeeze %dma_wait3A_64 : memref<1x80xi32, #tpu.memory_space<vmem>> -> memref<80xi32, #tpu.memory_space<vmem>>
    %dma_wait3A_66 = arith.constant 0 : i32
    %dma_wait3A_67 = arith.constant 0 : i32
    %dma_wait3A_68 = tpu.memref_slice %arg3[%dma_wait3A_66, %dma_wait3A_67] : memref<100000x128xf32, #tpu.memory_space<hbm>> -> memref<100000x128xf32, #tpu.memory_space<hbm>>
    tpu.wait_indirect_dma semaphore(%arg7 : memref<!tpu.dma_semaphore, #tpu.memory_space<semaphore_mem>>) src(%dma_wait3A_68 : memref<100000x128xf32, #tpu.memory_space<hbm>>) dst(%dma_wait3A_62 : memref<80x128xf32, #tpu.memory_space<vmem>>)
    %dma_wait3A_69 = arith.constant 2 : i32
    %dma_wait3A_70 = arith.constant 160 : i32
    %dma_wait3A_71 = arith.constant 0 : i32
    %dma_wait3A_72 = tpu.memref_slice %arg6[%dma_wait3A_70, %dma_wait3A_71] : memref<400x128xf32, #tpu.memory_space<vmem>> -> memref<80x128xf32, #tpu.memory_space<vmem>>
    %dma_wait3A_73 = arith.constant 0 : i32
    %dma_wait3A_74 = tpu.memref_slice %arg5[%dma_wait3A_69, %dma_wait3A_73] : memref<5x80xi32, #tpu.memory_space<vmem>> -> memref<1x80xi32, #tpu.memory_space<vmem>>
    %dma_wait3A_75 = tpu.memref_squeeze %dma_wait3A_74 : memref<1x80xi32, #tpu.memory_space<vmem>> -> memref<80xi32, #tpu.memory_space<vmem>>
    %dma_wait3A_76 = arith.constant 0 : i32
    %dma_wait3A_77 = arith.constant 0 : i32
    %dma_wait3A_78 = tpu.memref_slice %arg3[%dma_wait3A_76, %dma_wait3A_77] : memref<100000x128xf32, #tpu.memory_space<hbm>> -> memref<100000x128xf32, #tpu.memory_space<hbm>>
    tpu.wait_indirect_dma semaphore(%arg7 : memref<!tpu.dma_semaphore, #tpu.memory_space<semaphore_mem>>) src(%dma_wait3A_78 : memref<100000x128xf32, #tpu.memory_space<hbm>>) dst(%dma_wait3A_72 : memref<80x128xf32, #tpu.memory_space<vmem>>)
    %dma_wait3A_79 = arith.constant 3 : i32
    %dma_wait3A_80 = arith.constant 240 : i32
    %dma_wait3A_81 = arith.constant 0 : i32
    %dma_wait3A_82 = tpu.memref_slice %arg6[%dma_wait3A_80, %dma_wait3A_81] : memref<400x128xf32, #tpu.memory_space<vmem>> -> memref<80x128xf32, #tpu.memory_space<vmem>>
    %dma_wait3A_83 = arith.constant 0 : i32
    %dma_wait3A_84 = tpu.memref_slice %arg5[%dma_wait3A_79, %dma_wait3A_83] : memref<5x80xi32, #tpu.memory_space<vmem>> -> memref<1x80xi32, #tpu.memory_space<vmem>>
    %dma_wait3A_85 = tpu.memref_squeeze %dma_wait3A_84 : memref<1x80xi32, #tpu.memory_space<vmem>> -> memref<80xi32, #tpu.memory_space<vmem>>
    %dma_wait3A_86 = arith.constant 0 : i32
    %dma_wait3A_87 = arith.constant 0 : i32
    %dma_wait3A_88 = tpu.memref_slice %arg3[%dma_wait3A_86, %dma_wait3A_87] : memref<100000x128xf32, #tpu.memory_space<hbm>> -> memref<100000x128xf32, #tpu.memory_space<hbm>>
    tpu.wait_indirect_dma semaphore(%arg7 : memref<!tpu.dma_semaphore, #tpu.memory_space<semaphore_mem>>) src(%dma_wait3A_88 : memref<100000x128xf32, #tpu.memory_space<hbm>>) dst(%dma_wait3A_82 : memref<80x128xf32, #tpu.memory_space<vmem>>)
    %dma_wait3A_89 = arith.constant 4 : i32
    %dma_wait3A_90 = arith.constant 320 : i32
    %dma_wait3A_91 = arith.constant 0 : i32
    %dma_wait3A_92 = tpu.memref_slice %arg6[%dma_wait3A_90, %dma_wait3A_91] : memref<400x128xf32, #tpu.memory_space<vmem>> -> memref<80x128xf32, #tpu.memory_space<vmem>>
    %dma_wait3A_93 = arith.constant 0 : i32
    %dma_wait3A_94 = tpu.memref_slice %arg5[%dma_wait3A_89, %dma_wait3A_93] : memref<5x80xi32, #tpu.memory_space<vmem>> -> memref<1x80xi32, #tpu.memory_space<vmem>>
    %dma_wait3A_95 = tpu.memref_squeeze %dma_wait3A_94 : memref<1x80xi32, #tpu.memory_space<vmem>> -> memref<80xi32, #tpu.memory_space<vmem>>
    %dma_wait3A_96 = arith.constant 0 : i32
    %dma_wait3A_97 = arith.constant 0 : i32
    %dma_wait3A_98 = tpu.memref_slice %arg3[%dma_wait3A_96, %dma_wait3A_97] : memref<100000x128xf32, #tpu.memory_space<hbm>> -> memref<100000x128xf32, #tpu.memory_space<hbm>>
    tpu.wait_indirect_dma semaphore(%arg7 : memref<!tpu.dma_semaphore, #tpu.memory_space<semaphore_mem>>) src(%dma_wait3A_98 : memref<100000x128xf32, #tpu.memory_space<hbm>>) dst(%dma_wait3A_92 : memref<80x128xf32, #tpu.memory_space<vmem>>)
    %mul3A_99 = arith.constant 400 : i32
    %mul3A_100 = arith.muli %add3A, %mul3A_99 : i32
    "tpu.region"() ({
      %run_scoped3A = tpu.sem_alloc : memref<!tpu.dma_semaphore, #tpu.memory_space<semaphore_mem>>
      %dma_start3A_101 = arith.constant 0 : i32
      %dma_start3A_102 = tpu.memref_slice %arg4[%mul3A_100, %dma_start3A_101] : memref<12800x128xf32, #tpu.memory_space<hbm>> -> memref<400x128xf32, #tpu.memory_space<hbm>>
      %dma_start3A_103 = arith.constant 0 : i32
      %dma_start3A_104 = tpu.memref_slice %arg4[%mul3A_100, %dma_start3A_103] : memref<12800x128xf32, #tpu.memory_space<hbm>> -> memref<400x128xf32, #tpu.memory_space<hbm>>
      tpu.enqueue_dma source(%arg6 : memref<400x128xf32, #tpu.memory_space<vmem>>) target(%dma_start3A_104 : memref<400x128xf32, #tpu.memory_space<hbm>>) target_semaphore(%run_scoped3A : memref<!tpu.dma_semaphore, #tpu.memory_space<semaphore_mem>>)
      %dma_wait3A_105 = arith.constant 0 : i32
      %dma_wait3A_106 = tpu.memref_slice %arg4[%mul3A_100, %dma_wait3A_105] : memref<12800x128xf32, #tpu.memory_space<hbm>> -> memref<400x128xf32, #tpu.memory_space<hbm>>
      %dma_wait3A_107 = arith.constant 0 : i32
      %dma_wait3A_108 = tpu.memref_slice %arg4[%mul3A_100, %dma_wait3A_107] : memref<12800x128xf32, #tpu.memory_space<hbm>> -> memref<400x128xf32, #tpu.memory_space<hbm>>
      tpu.wait_dma2 semaphore(%run_scoped3A : memref<!tpu.dma_semaphore, #tpu.memory_space<semaphore_mem>>) src(%arg6 : memref<400x128xf32, #tpu.memory_space<vmem>>) dst(%dma_wait3A_108 : memref<400x128xf32, #tpu.memory_space<hbm>>)
      tpu.yield
    }) : () -> ()
    return
  }
}

module attributes {stable_mosaic.version = 14 : i64} {
  func.func @_tc_body(%arg0: i32, %arg1: memref<32x200xi32, #tpu.memory_space<vmem>>, %arg2: memref<32x25x1x128xf32, #tpu.memory_space<vmem>>, %arg3: memref<32x25x8x128xf32, #tpu.memory_space<vmem>>) attributes {dimension_semantics = [#tpu.dimension_semantics<arbitrary>], iteration_bounds = array<i64: 16>, scalar_prefetch = 0 : i64, scratch_operands = 0 : i64, tpu.core_type = #tpu.core_type<tc>, window_params = [{transform_indices = @transform_0, window_bounds = array<i64: 32, 200>}, {transform_indices = @transform_1, window_bounds = array<i64: 32, 25, 1, 128>}, {transform_indices = @transform_2, window_bounds = array<i64: 32, 25, 8, 128>}]} {
    %get3A = arith.constant 0 : index
    %get3A_0 = arith.constant 0 : index
    %get3A_1 = vector.load %arg1[%get3A, %get3A_0] : memref<32x200xi32, #tpu.memory_space<vmem>>, vector<32x200xi32>
    %convert_element_type3A = arith.sitofp %get3A_1 : vector<32x200xi32> to vector<32x200xf32>
    %mul3A = arith.constant 3.14159274 : f32
    %mul3A_2 = vector.broadcast %mul3A : f32 to vector<32x200xf32>
    %mul3A_3 = arith.mulf %convert_element_type3A, %mul3A_2 : vector<32x200xf32>
    %sin3A = math.sin %mul3A_3 : vector<32x200xf32>
    %cos3A = math.cos %mul3A_3 : vector<32x200xf32>
    %mul3A_4 = arith.constant 2.000000e+00 : f32
    %mul3A_5 = vector.broadcast %mul3A_4 : f32 to vector<32x200xf32>
    %mul3A_6 = arith.mulf %mul3A_5, %sin3A : vector<32x200xf32>
    %mul3A_7 = arith.mulf %mul3A_6, %cos3A : vector<32x200xf32>
    %mul3A_8 = arith.mulf %cos3A, %cos3A : vector<32x200xf32>
    %mul3A_9 = arith.mulf %sin3A, %sin3A : vector<32x200xf32>
    %sub3A = arith.subf %mul3A_8, %mul3A_9 : vector<32x200xf32>
    %mul3A_10 = arith.constant 2.000000e+00 : f32
    %mul3A_11 = vector.broadcast %mul3A_10 : f32 to vector<32x200xf32>
    %mul3A_12 = arith.mulf %mul3A_11, %mul3A_7 : vector<32x200xf32>
    %mul3A_13 = arith.mulf %mul3A_12, %sub3A : vector<32x200xf32>
    %mul3A_14 = arith.mulf %sub3A, %sub3A : vector<32x200xf32>
    %mul3A_15 = arith.mulf %mul3A_7, %mul3A_7 : vector<32x200xf32>
    %sub3A_16 = arith.subf %mul3A_14, %mul3A_15 : vector<32x200xf32>
    %mul3A_17 = arith.constant 2.000000e+00 : f32
    %mul3A_18 = vector.broadcast %mul3A_17 : f32 to vector<32x200xf32>
    %mul3A_19 = arith.mulf %mul3A_18, %mul3A_13 : vector<32x200xf32>
    %mul3A_20 = arith.mulf %mul3A_19, %sub3A_16 : vector<32x200xf32>
    %mul3A_21 = arith.mulf %sub3A_16, %sub3A_16 : vector<32x200xf32>
    %mul3A_22 = arith.mulf %mul3A_13, %mul3A_13 : vector<32x200xf32>
    %sub3A_23 = arith.subf %mul3A_21, %mul3A_22 : vector<32x200xf32>
    %mul3A_24 = arith.constant 2.000000e+00 : f32
    %mul3A_25 = vector.broadcast %mul3A_24 : f32 to vector<32x200xf32>
    %mul3A_26 = arith.mulf %mul3A_25, %mul3A_20 : vector<32x200xf32>
    %mul3A_27 = arith.mulf %mul3A_26, %sub3A_23 : vector<32x200xf32>
    %mul3A_28 = arith.mulf %sub3A_23, %sub3A_23 : vector<32x200xf32>
    %mul3A_29 = arith.mulf %mul3A_20, %mul3A_20 : vector<32x200xf32>
    %sub3A_30 = arith.subf %mul3A_28, %mul3A_29 : vector<32x200xf32>
    %mul3A_31 = arith.constant 2.000000e+00 : f32
    %mul3A_32 = vector.broadcast %mul3A_31 : f32 to vector<32x200xf32>
    %mul3A_33 = arith.mulf %mul3A_32, %mul3A_27 : vector<32x200xf32>
    %mul3A_34 = arith.mulf %mul3A_33, %sub3A_30 : vector<32x200xf32>
    %mul3A_35 = arith.mulf %sub3A_30, %sub3A_30 : vector<32x200xf32>
    %mul3A_36 = arith.mulf %mul3A_27, %mul3A_27 : vector<32x200xf32>
    %sub3A_37 = arith.subf %mul3A_35, %mul3A_36 : vector<32x200xf32>
    %mul3A_38 = arith.constant 2.000000e+00 : f32
    %mul3A_39 = vector.broadcast %mul3A_38 : f32 to vector<32x200xf32>
    %mul3A_40 = arith.mulf %mul3A_39, %mul3A_34 : vector<32x200xf32>
    %mul3A_41 = arith.mulf %mul3A_40, %sub3A_37 : vector<32x200xf32>
    %mul3A_42 = arith.mulf %sub3A_37, %sub3A_37 : vector<32x200xf32>
    %mul3A_43 = arith.mulf %mul3A_34, %mul3A_34 : vector<32x200xf32>
    %sub3A_44 = arith.subf %mul3A_42, %mul3A_43 : vector<32x200xf32>
    %mul3A_45 = arith.constant 2.000000e+00 : f32
    %mul3A_46 = vector.broadcast %mul3A_45 : f32 to vector<32x200xf32>
    %mul3A_47 = arith.mulf %mul3A_46, %mul3A_41 : vector<32x200xf32>
    %mul3A_48 = arith.mulf %mul3A_47, %sub3A_44 : vector<32x200xf32>
    %mul3A_49 = arith.mulf %sub3A_44, %sub3A_44 : vector<32x200xf32>
    %mul3A_50 = arith.mulf %mul3A_41, %mul3A_41 : vector<32x200xf32>
    %sub3A_51 = arith.subf %mul3A_49, %mul3A_50 : vector<32x200xf32>
    %mul3A_52 = arith.constant 2.000000e+00 : f32
    %mul3A_53 = vector.broadcast %mul3A_52 : f32 to vector<32x200xf32>
    %mul3A_54 = arith.mulf %mul3A_53, %mul3A_48 : vector<32x200xf32>
    %mul3A_55 = arith.mulf %mul3A_54, %sub3A_51 : vector<32x200xf32>
    %mul3A_56 = arith.mulf %sub3A_51, %sub3A_51 : vector<32x200xf32>
    %mul3A_57 = arith.mulf %mul3A_48, %mul3A_48 : vector<32x200xf32>
    %sub3A_58 = arith.subf %mul3A_56, %mul3A_57 : vector<32x200xf32>
    %mul3A_59 = arith.constant 2.000000e+00 : f32
    %mul3A_60 = vector.broadcast %mul3A_59 : f32 to vector<32x200xf32>
    %mul3A_61 = arith.mulf %mul3A_60, %mul3A_55 : vector<32x200xf32>
    %mul3A_62 = arith.mulf %mul3A_61, %sub3A_58 : vector<32x200xf32>
    %mul3A_63 = arith.mulf %sub3A_58, %sub3A_58 : vector<32x200xf32>
    %mul3A_64 = arith.mulf %mul3A_55, %mul3A_55 : vector<32x200xf32>
    %sub3A_65 = arith.subf %mul3A_63, %mul3A_64 : vector<32x200xf32>
    %mul3A_66 = arith.constant 2.000000e+00 : f32
    %mul3A_67 = vector.broadcast %mul3A_66 : f32 to vector<32x200xf32>
    %mul3A_68 = arith.mulf %mul3A_67, %mul3A_62 : vector<32x200xf32>
    %mul3A_69 = arith.mulf %mul3A_68, %sub3A_65 : vector<32x200xf32>
    %mul3A_70 = arith.mulf %sub3A_65, %sub3A_65 : vector<32x200xf32>
    %mul3A_71 = arith.mulf %mul3A_62, %mul3A_62 : vector<32x200xf32>
    %sub3A_72 = arith.subf %mul3A_70, %mul3A_71 : vector<32x200xf32>
    %mul3A_73 = arith.constant 2.000000e+00 : f32
    %mul3A_74 = vector.broadcast %mul3A_73 : f32 to vector<32x200xf32>
    %mul3A_75 = arith.mulf %mul3A_74, %mul3A_69 : vector<32x200xf32>
    %mul3A_76 = arith.mulf %mul3A_75, %sub3A_72 : vector<32x200xf32>
    %mul3A_77 = arith.mulf %sub3A_72, %sub3A_72 : vector<32x200xf32>
    %mul3A_78 = arith.mulf %mul3A_69, %mul3A_69 : vector<32x200xf32>
    %sub3A_79 = arith.subf %mul3A_77, %mul3A_78 : vector<32x200xf32>
    %mul3A_80 = arith.constant 2.000000e+00 : f32
    %mul3A_81 = vector.broadcast %mul3A_80 : f32 to vector<32x200xf32>
    %mul3A_82 = arith.mulf %mul3A_81, %mul3A_76 : vector<32x200xf32>
    %mul3A_83 = arith.mulf %mul3A_82, %sub3A_79 : vector<32x200xf32>
    %mul3A_84 = arith.mulf %sub3A_79, %sub3A_79 : vector<32x200xf32>
    %mul3A_85 = arith.mulf %mul3A_76, %mul3A_76 : vector<32x200xf32>
    %sub3A_86 = arith.subf %mul3A_84, %mul3A_85 : vector<32x200xf32>
    %mul3A_87 = arith.constant 2.000000e+00 : f32
    %mul3A_88 = vector.broadcast %mul3A_87 : f32 to vector<32x200xf32>
    %mul3A_89 = arith.mulf %mul3A_88, %mul3A_83 : vector<32x200xf32>
    %mul3A_90 = arith.mulf %mul3A_89, %sub3A_86 : vector<32x200xf32>
    %mul3A_91 = arith.mulf %sub3A_86, %sub3A_86 : vector<32x200xf32>
    %mul3A_92 = arith.mulf %mul3A_83, %mul3A_83 : vector<32x200xf32>
    %sub3A_93 = arith.subf %mul3A_91, %mul3A_92 : vector<32x200xf32>
    %mul3A_94 = arith.constant 2.000000e+00 : f32
    %mul3A_95 = vector.broadcast %mul3A_94 : f32 to vector<32x200xf32>
    %mul3A_96 = arith.mulf %mul3A_95, %mul3A_90 : vector<32x200xf32>
    %mul3A_97 = arith.mulf %mul3A_96, %sub3A_93 : vector<32x200xf32>
    %mul3A_98 = arith.mulf %sub3A_93, %sub3A_93 : vector<32x200xf32>
    %mul3A_99 = arith.mulf %mul3A_90, %mul3A_90 : vector<32x200xf32>
    %sub3A_100 = arith.subf %mul3A_98, %mul3A_99 : vector<32x200xf32>
    %mul3A_101 = arith.constant 2.000000e+00 : f32
    %mul3A_102 = vector.broadcast %mul3A_101 : f32 to vector<32x200xf32>
    %mul3A_103 = arith.mulf %mul3A_102, %mul3A_97 : vector<32x200xf32>
    %mul3A_104 = arith.mulf %mul3A_103, %sub3A_100 : vector<32x200xf32>
    %mul3A_105 = arith.mulf %sub3A_100, %sub3A_100 : vector<32x200xf32>
    %mul3A_106 = arith.mulf %mul3A_97, %mul3A_97 : vector<32x200xf32>
    %sub3A_107 = arith.subf %mul3A_105, %mul3A_106 : vector<32x200xf32>
    %mul3A_108 = arith.constant 6.553600e+04 : f32
    %mul3A_109 = vector.broadcast %mul3A_108 : f32 to vector<32x200xf32>
    %mul3A_110 = arith.mulf %mul3A_3, %mul3A_109 : vector<32x200xf32>
    %sin3A_111 = math.sin %mul3A_110 : vector<32x200xf32>
    %cos3A_112 = math.cos %mul3A_110 : vector<32x200xf32>
    %mul3A_113 = arith.constant 2.000000e+00 : f32
    %mul3A_114 = vector.broadcast %mul3A_113 : f32 to vector<32x200xf32>
    %mul3A_115 = arith.mulf %mul3A_114, %sin3A_111 : vector<32x200xf32>
    %mul3A_116 = arith.mulf %mul3A_115, %cos3A_112 : vector<32x200xf32>
    %mul3A_117 = arith.mulf %cos3A_112, %cos3A_112 : vector<32x200xf32>
    %mul3A_118 = arith.mulf %sin3A_111, %sin3A_111 : vector<32x200xf32>
    %sub3A_119 = arith.subf %mul3A_117, %mul3A_118 : vector<32x200xf32>
    %mul3A_120 = arith.constant 2.000000e+00 : f32
    %mul3A_121 = vector.broadcast %mul3A_120 : f32 to vector<32x200xf32>
    %mul3A_122 = arith.mulf %mul3A_121, %mul3A_116 : vector<32x200xf32>
    %mul3A_123 = arith.mulf %mul3A_122, %sub3A_119 : vector<32x200xf32>
    %mul3A_124 = arith.mulf %sub3A_119, %sub3A_119 : vector<32x200xf32>
    %mul3A_125 = arith.mulf %mul3A_116, %mul3A_116 : vector<32x200xf32>
    %sub3A_126 = arith.subf %mul3A_124, %mul3A_125 : vector<32x200xf32>
    %mul3A_127 = arith.constant 2.000000e+00 : f32
    %mul3A_128 = vector.broadcast %mul3A_127 : f32 to vector<32x200xf32>
    %mul3A_129 = arith.mulf %mul3A_128, %mul3A_123 : vector<32x200xf32>
    %mul3A_130 = arith.mulf %mul3A_129, %sub3A_126 : vector<32x200xf32>
    %mul3A_131 = arith.mulf %sub3A_126, %sub3A_126 : vector<32x200xf32>
    %mul3A_132 = arith.mulf %mul3A_123, %mul3A_123 : vector<32x200xf32>
    %sub3A_133 = arith.subf %mul3A_131, %mul3A_132 : vector<32x200xf32>
    %mul3A_134 = arith.constant 2.000000e+00 : f32
    %mul3A_135 = vector.broadcast %mul3A_134 : f32 to vector<32x200xf32>
    %mul3A_136 = arith.mulf %mul3A_135, %mul3A_130 : vector<32x200xf32>
    %mul3A_137 = arith.mulf %mul3A_136, %sub3A_133 : vector<32x200xf32>
    %mul3A_138 = arith.mulf %sub3A_133, %sub3A_133 : vector<32x200xf32>
    %mul3A_139 = arith.mulf %mul3A_130, %mul3A_130 : vector<32x200xf32>
    %sub3A_140 = arith.subf %mul3A_138, %mul3A_139 : vector<32x200xf32>
    %mul3A_141 = arith.constant 2.000000e+00 : f32
    %mul3A_142 = vector.broadcast %mul3A_141 : f32 to vector<32x200xf32>
    %mul3A_143 = arith.mulf %mul3A_142, %mul3A_137 : vector<32x200xf32>
    %mul3A_144 = arith.mulf %mul3A_143, %sub3A_140 : vector<32x200xf32>
    %mul3A_145 = arith.mulf %sub3A_140, %sub3A_140 : vector<32x200xf32>
    %mul3A_146 = arith.mulf %mul3A_137, %mul3A_137 : vector<32x200xf32>
    %sub3A_147 = arith.subf %mul3A_145, %mul3A_146 : vector<32x200xf32>
    %mul3A_148 = arith.constant 2.000000e+00 : f32
    %mul3A_149 = vector.broadcast %mul3A_148 : f32 to vector<32x200xf32>
    %mul3A_150 = arith.mulf %mul3A_149, %mul3A_144 : vector<32x200xf32>
    %mul3A_151 = arith.mulf %mul3A_150, %sub3A_147 : vector<32x200xf32>
    %mul3A_152 = arith.mulf %sub3A_147, %sub3A_147 : vector<32x200xf32>
    %mul3A_153 = arith.mulf %mul3A_144, %mul3A_144 : vector<32x200xf32>
    %sub3A_154 = arith.subf %mul3A_152, %mul3A_153 : vector<32x200xf32>
    %mul3A_155 = arith.constant 2.000000e+00 : f32
    %mul3A_156 = vector.broadcast %mul3A_155 : f32 to vector<32x200xf32>
    %mul3A_157 = arith.mulf %mul3A_156, %mul3A_151 : vector<32x200xf32>
    %mul3A_158 = arith.mulf %mul3A_157, %sub3A_154 : vector<32x200xf32>
    %mul3A_159 = arith.mulf %sub3A_154, %sub3A_154 : vector<32x200xf32>
    %mul3A_160 = arith.mulf %mul3A_151, %mul3A_151 : vector<32x200xf32>
    %sub3A_161 = arith.subf %mul3A_159, %mul3A_160 : vector<32x200xf32>
    %mul3A_162 = arith.constant 2.000000e+00 : f32
    %mul3A_163 = vector.broadcast %mul3A_162 : f32 to vector<32x200xf32>
    %mul3A_164 = arith.mulf %mul3A_163, %mul3A_158 : vector<32x200xf32>
    %mul3A_165 = arith.mulf %mul3A_164, %sub3A_161 : vector<32x200xf32>
    %mul3A_166 = arith.mulf %sub3A_161, %sub3A_161 : vector<32x200xf32>
    %mul3A_167 = arith.mulf %mul3A_158, %mul3A_158 : vector<32x200xf32>
    %sub3A_168 = arith.subf %mul3A_166, %mul3A_167 : vector<32x200xf32>
    %mul3A_169 = arith.constant 2.000000e+00 : f32
    %mul3A_170 = vector.broadcast %mul3A_169 : f32 to vector<32x200xf32>
    %mul3A_171 = arith.mulf %mul3A_170, %mul3A_165 : vector<32x200xf32>
    %mul3A_172 = arith.mulf %mul3A_171, %sub3A_168 : vector<32x200xf32>
    %mul3A_173 = arith.mulf %sub3A_168, %sub3A_168 : vector<32x200xf32>
    %mul3A_174 = arith.mulf %mul3A_165, %mul3A_165 : vector<32x200xf32>
    %sub3A_175 = arith.subf %mul3A_173, %mul3A_174 : vector<32x200xf32>
    %mul3A_176 = arith.constant 2.000000e+00 : f32
    %mul3A_177 = vector.broadcast %mul3A_176 : f32 to vector<32x200xf32>
    %mul3A_178 = arith.mulf %mul3A_177, %mul3A_172 : vector<32x200xf32>
    %mul3A_179 = arith.mulf %mul3A_178, %sub3A_175 : vector<32x200xf32>
    %mul3A_180 = arith.mulf %sub3A_175, %sub3A_175 : vector<32x200xf32>
    %mul3A_181 = arith.mulf %mul3A_172, %mul3A_172 : vector<32x200xf32>
    %sub3A_182 = arith.subf %mul3A_180, %mul3A_181 : vector<32x200xf32>
    %mul3A_183 = arith.constant 2.000000e+00 : f32
    %mul3A_184 = vector.broadcast %mul3A_183 : f32 to vector<32x200xf32>
    %mul3A_185 = arith.mulf %mul3A_184, %mul3A_179 : vector<32x200xf32>
    %mul3A_186 = arith.mulf %mul3A_185, %sub3A_182 : vector<32x200xf32>
    %mul3A_187 = arith.mulf %sub3A_182, %sub3A_182 : vector<32x200xf32>
    %mul3A_188 = arith.mulf %mul3A_179, %mul3A_179 : vector<32x200xf32>
    %sub3A_189 = arith.subf %mul3A_187, %mul3A_188 : vector<32x200xf32>
    %mul3A_190 = arith.constant 2.000000e+00 : f32
    %mul3A_191 = vector.broadcast %mul3A_190 : f32 to vector<32x200xf32>
    %mul3A_192 = arith.mulf %mul3A_191, %mul3A_186 : vector<32x200xf32>
    %mul3A_193 = arith.mulf %mul3A_192, %sub3A_189 : vector<32x200xf32>
    %mul3A_194 = arith.mulf %sub3A_189, %sub3A_189 : vector<32x200xf32>
    %mul3A_195 = arith.mulf %mul3A_186, %mul3A_186 : vector<32x200xf32>
    %sub3A_196 = arith.subf %mul3A_194, %mul3A_195 : vector<32x200xf32>
    %mul3A_197 = arith.constant 2.000000e+00 : f32
    %mul3A_198 = vector.broadcast %mul3A_197 : f32 to vector<32x200xf32>
    %mul3A_199 = arith.mulf %mul3A_198, %mul3A_193 : vector<32x200xf32>
    %mul3A_200 = arith.mulf %mul3A_199, %sub3A_196 : vector<32x200xf32>
    %mul3A_201 = arith.mulf %sub3A_196, %sub3A_196 : vector<32x200xf32>
    %mul3A_202 = arith.mulf %mul3A_193, %mul3A_193 : vector<32x200xf32>
    %sub3A_203 = arith.subf %mul3A_201, %mul3A_202 : vector<32x200xf32>
    %mul3A_204 = arith.constant 2.000000e+00 : f32
    %mul3A_205 = vector.broadcast %mul3A_204 : f32 to vector<32x200xf32>
    %mul3A_206 = arith.mulf %mul3A_205, %mul3A_200 : vector<32x200xf32>
    %mul3A_207 = arith.mulf %mul3A_206, %sub3A_203 : vector<32x200xf32>
    %mul3A_208 = arith.mulf %sub3A_203, %sub3A_203 : vector<32x200xf32>
    %mul3A_209 = arith.mulf %mul3A_200, %mul3A_200 : vector<32x200xf32>
    %sub3A_210 = arith.subf %mul3A_208, %mul3A_209 : vector<32x200xf32>
    %mul3A_211 = arith.constant 2.000000e+00 : f32
    %mul3A_212 = vector.broadcast %mul3A_211 : f32 to vector<32x200xf32>
    %mul3A_213 = arith.mulf %mul3A_212, %mul3A_207 : vector<32x200xf32>
    %mul3A_214 = arith.mulf %mul3A_213, %sub3A_210 : vector<32x200xf32>
    %mul3A_215 = arith.mulf %sub3A_210, %sub3A_210 : vector<32x200xf32>
    %mul3A_216 = arith.mulf %mul3A_207, %mul3A_207 : vector<32x200xf32>
    %sub3A_217 = arith.subf %mul3A_215, %mul3A_216 : vector<32x200xf32>
    %mul3A_218 = arith.constant 4.2949673E+9 : f32
    %mul3A_219 = vector.broadcast %mul3A_218 : f32 to vector<32x200xf32>
    %mul3A_220 = arith.mulf %mul3A_3, %mul3A_219 : vector<32x200xf32>
    %sin3A_221 = math.sin %mul3A_220 : vector<32x200xf32>
    %cos3A_222 = math.cos %mul3A_220 : vector<32x200xf32>
    %mul3A_223 = arith.constant 2.000000e+00 : f32
    %mul3A_224 = vector.broadcast %mul3A_223 : f32 to vector<32x200xf32>
    %mul3A_225 = arith.mulf %mul3A_224, %sin3A_221 : vector<32x200xf32>
    %mul3A_226 = arith.mulf %mul3A_225, %cos3A_222 : vector<32x200xf32>
    %mul3A_227 = arith.mulf %cos3A_222, %cos3A_222 : vector<32x200xf32>
    %mul3A_228 = arith.mulf %sin3A_221, %sin3A_221 : vector<32x200xf32>
    %sub3A_229 = arith.subf %mul3A_227, %mul3A_228 : vector<32x200xf32>
    %mul3A_230 = arith.constant 2.000000e+00 : f32
    %mul3A_231 = vector.broadcast %mul3A_230 : f32 to vector<32x200xf32>
    %mul3A_232 = arith.mulf %mul3A_231, %mul3A_226 : vector<32x200xf32>
    %mul3A_233 = arith.mulf %mul3A_232, %sub3A_229 : vector<32x200xf32>
    %mul3A_234 = arith.mulf %sub3A_229, %sub3A_229 : vector<32x200xf32>
    %mul3A_235 = arith.mulf %mul3A_226, %mul3A_226 : vector<32x200xf32>
    %sub3A_236 = arith.subf %mul3A_234, %mul3A_235 : vector<32x200xf32>
    %mul3A_237 = arith.constant 2.000000e+00 : f32
    %mul3A_238 = vector.broadcast %mul3A_237 : f32 to vector<32x200xf32>
    %mul3A_239 = arith.mulf %mul3A_238, %mul3A_233 : vector<32x200xf32>
    %mul3A_240 = arith.mulf %mul3A_239, %sub3A_236 : vector<32x200xf32>
    %mul3A_241 = arith.mulf %sub3A_236, %sub3A_236 : vector<32x200xf32>
    %mul3A_242 = arith.mulf %mul3A_233, %mul3A_233 : vector<32x200xf32>
    %sub3A_243 = arith.subf %mul3A_241, %mul3A_242 : vector<32x200xf32>
    %mul3A_244 = arith.constant 2.000000e+00 : f32
    %mul3A_245 = vector.broadcast %mul3A_244 : f32 to vector<32x200xf32>
    %mul3A_246 = arith.mulf %mul3A_245, %mul3A_240 : vector<32x200xf32>
    %mul3A_247 = arith.mulf %mul3A_246, %sub3A_243 : vector<32x200xf32>
    %mul3A_248 = arith.mulf %sub3A_243, %sub3A_243 : vector<32x200xf32>
    %mul3A_249 = arith.mulf %mul3A_240, %mul3A_240 : vector<32x200xf32>
    %sub3A_250 = arith.subf %mul3A_248, %mul3A_249 : vector<32x200xf32>
    %mul3A_251 = arith.constant 2.000000e+00 : f32
    %mul3A_252 = vector.broadcast %mul3A_251 : f32 to vector<32x200xf32>
    %mul3A_253 = arith.mulf %mul3A_252, %mul3A_247 : vector<32x200xf32>
    %mul3A_254 = arith.mulf %mul3A_253, %sub3A_250 : vector<32x200xf32>
    %mul3A_255 = arith.mulf %sub3A_250, %sub3A_250 : vector<32x200xf32>
    %mul3A_256 = arith.mulf %mul3A_247, %mul3A_247 : vector<32x200xf32>
    %sub3A_257 = arith.subf %mul3A_255, %mul3A_256 : vector<32x200xf32>
    %mul3A_258 = arith.constant 2.000000e+00 : f32
    %mul3A_259 = vector.broadcast %mul3A_258 : f32 to vector<32x200xf32>
    %mul3A_260 = arith.mulf %mul3A_259, %mul3A_254 : vector<32x200xf32>
    %mul3A_261 = arith.mulf %mul3A_260, %sub3A_257 : vector<32x200xf32>
    %mul3A_262 = arith.mulf %sub3A_257, %sub3A_257 : vector<32x200xf32>
    %mul3A_263 = arith.mulf %mul3A_254, %mul3A_254 : vector<32x200xf32>
    %sub3A_264 = arith.subf %mul3A_262, %mul3A_263 : vector<32x200xf32>
    %mul3A_265 = arith.constant 2.000000e+00 : f32
    %mul3A_266 = vector.broadcast %mul3A_265 : f32 to vector<32x200xf32>
    %mul3A_267 = arith.mulf %mul3A_266, %mul3A_261 : vector<32x200xf32>
    %mul3A_268 = arith.mulf %mul3A_267, %sub3A_264 : vector<32x200xf32>
    %mul3A_269 = arith.mulf %sub3A_264, %sub3A_264 : vector<32x200xf32>
    %mul3A_270 = arith.mulf %mul3A_261, %mul3A_261 : vector<32x200xf32>
    %sub3A_271 = arith.subf %mul3A_269, %mul3A_270 : vector<32x200xf32>
    %mul3A_272 = arith.constant 2.000000e+00 : f32
    %mul3A_273 = vector.broadcast %mul3A_272 : f32 to vector<32x200xf32>
    %mul3A_274 = arith.mulf %mul3A_273, %mul3A_268 : vector<32x200xf32>
    %mul3A_275 = arith.mulf %mul3A_274, %sub3A_271 : vector<32x200xf32>
    %mul3A_276 = arith.mulf %sub3A_271, %sub3A_271 : vector<32x200xf32>
    %mul3A_277 = arith.mulf %mul3A_268, %mul3A_268 : vector<32x200xf32>
    %sub3A_278 = arith.subf %mul3A_276, %mul3A_277 : vector<32x200xf32>
    %mul3A_279 = arith.constant 2.000000e+00 : f32
    %mul3A_280 = vector.broadcast %mul3A_279 : f32 to vector<32x200xf32>
    %mul3A_281 = arith.mulf %mul3A_280, %mul3A_275 : vector<32x200xf32>
    %mul3A_282 = arith.mulf %mul3A_281, %sub3A_278 : vector<32x200xf32>
    %mul3A_283 = arith.mulf %sub3A_278, %sub3A_278 : vector<32x200xf32>
    %mul3A_284 = arith.mulf %mul3A_275, %mul3A_275 : vector<32x200xf32>
    %sub3A_285 = arith.subf %mul3A_283, %mul3A_284 : vector<32x200xf32>
    %mul3A_286 = arith.constant 2.000000e+00 : f32
    %mul3A_287 = vector.broadcast %mul3A_286 : f32 to vector<32x200xf32>
    %mul3A_288 = arith.mulf %mul3A_287, %mul3A_282 : vector<32x200xf32>
    %mul3A_289 = arith.mulf %mul3A_288, %sub3A_285 : vector<32x200xf32>
    %mul3A_290 = arith.mulf %sub3A_285, %sub3A_285 : vector<32x200xf32>
    %mul3A_291 = arith.mulf %mul3A_282, %mul3A_282 : vector<32x200xf32>
    %sub3A_292 = arith.subf %mul3A_290, %mul3A_291 : vector<32x200xf32>
    %mul3A_293 = arith.constant 2.000000e+00 : f32
    %mul3A_294 = vector.broadcast %mul3A_293 : f32 to vector<32x200xf32>
    %mul3A_295 = arith.mulf %mul3A_294, %mul3A_289 : vector<32x200xf32>
    %mul3A_296 = arith.mulf %mul3A_295, %sub3A_292 : vector<32x200xf32>
    %mul3A_297 = arith.mulf %sub3A_292, %sub3A_292 : vector<32x200xf32>
    %mul3A_298 = arith.mulf %mul3A_289, %mul3A_289 : vector<32x200xf32>
    %sub3A_299 = arith.subf %mul3A_297, %mul3A_298 : vector<32x200xf32>
    %mul3A_300 = arith.constant 2.000000e+00 : f32
    %mul3A_301 = vector.broadcast %mul3A_300 : f32 to vector<32x200xf32>
    %mul3A_302 = arith.mulf %mul3A_301, %mul3A_296 : vector<32x200xf32>
    %mul3A_303 = arith.mulf %mul3A_302, %sub3A_299 : vector<32x200xf32>
    %mul3A_304 = arith.mulf %sub3A_299, %sub3A_299 : vector<32x200xf32>
    %mul3A_305 = arith.mulf %mul3A_296, %mul3A_296 : vector<32x200xf32>
    %sub3A_306 = arith.subf %mul3A_304, %mul3A_305 : vector<32x200xf32>
    %mul3A_307 = arith.constant 2.000000e+00 : f32
    %mul3A_308 = vector.broadcast %mul3A_307 : f32 to vector<32x200xf32>
    %mul3A_309 = arith.mulf %mul3A_308, %mul3A_303 : vector<32x200xf32>
    %mul3A_310 = arith.mulf %mul3A_309, %sub3A_306 : vector<32x200xf32>
    %mul3A_311 = arith.mulf %sub3A_306, %sub3A_306 : vector<32x200xf32>
    %mul3A_312 = arith.mulf %mul3A_303, %mul3A_303 : vector<32x200xf32>
    %sub3A_313 = arith.subf %mul3A_311, %mul3A_312 : vector<32x200xf32>
    %mul3A_314 = arith.constant 2.000000e+00 : f32
    %mul3A_315 = vector.broadcast %mul3A_314 : f32 to vector<32x200xf32>
    %mul3A_316 = arith.mulf %mul3A_315, %mul3A_310 : vector<32x200xf32>
    %mul3A_317 = arith.mulf %mul3A_316, %sub3A_313 : vector<32x200xf32>
    %mul3A_318 = arith.mulf %sub3A_313, %sub3A_313 : vector<32x200xf32>
    %mul3A_319 = arith.mulf %mul3A_310, %mul3A_310 : vector<32x200xf32>
    %sub3A_320 = arith.subf %mul3A_318, %mul3A_319 : vector<32x200xf32>
    %mul3A_321 = arith.constant 2.000000e+00 : f32
    %mul3A_322 = vector.broadcast %mul3A_321 : f32 to vector<32x200xf32>
    %mul3A_323 = arith.mulf %mul3A_322, %mul3A_317 : vector<32x200xf32>
    %mul3A_324 = arith.mulf %mul3A_323, %sub3A_320 : vector<32x200xf32>
    %mul3A_325 = arith.mulf %sub3A_320, %sub3A_320 : vector<32x200xf32>
    %mul3A_326 = arith.mulf %mul3A_317, %mul3A_317 : vector<32x200xf32>
    %sub3A_327 = arith.subf %mul3A_325, %mul3A_326 : vector<32x200xf32>
    %mul3A_328 = arith.constant 2.81474977E+14 : f32
    %mul3A_329 = vector.broadcast %mul3A_328 : f32 to vector<32x200xf32>
    %mul3A_330 = arith.mulf %mul3A_3, %mul3A_329 : vector<32x200xf32>
    %sin3A_331 = math.sin %mul3A_330 : vector<32x200xf32>
    %cos3A_332 = math.cos %mul3A_330 : vector<32x200xf32>
    %mul3A_333 = arith.constant 2.000000e+00 : f32
    %mul3A_334 = vector.broadcast %mul3A_333 : f32 to vector<32x200xf32>
    %mul3A_335 = arith.mulf %mul3A_334, %sin3A_331 : vector<32x200xf32>
    %mul3A_336 = arith.mulf %mul3A_335, %cos3A_332 : vector<32x200xf32>
    %mul3A_337 = arith.mulf %cos3A_332, %cos3A_332 : vector<32x200xf32>
    %mul3A_338 = arith.mulf %sin3A_331, %sin3A_331 : vector<32x200xf32>
    %sub3A_339 = arith.subf %mul3A_337, %mul3A_338 : vector<32x200xf32>
    %mul3A_340 = arith.constant 2.000000e+00 : f32
    %mul3A_341 = vector.broadcast %mul3A_340 : f32 to vector<32x200xf32>
    %mul3A_342 = arith.mulf %mul3A_341, %mul3A_336 : vector<32x200xf32>
    %mul3A_343 = arith.mulf %mul3A_342, %sub3A_339 : vector<32x200xf32>
    %mul3A_344 = arith.mulf %sub3A_339, %sub3A_339 : vector<32x200xf32>
    %mul3A_345 = arith.mulf %mul3A_336, %mul3A_336 : vector<32x200xf32>
    %sub3A_346 = arith.subf %mul3A_344, %mul3A_345 : vector<32x200xf32>
    %mul3A_347 = arith.constant 2.000000e+00 : f32
    %mul3A_348 = vector.broadcast %mul3A_347 : f32 to vector<32x200xf32>
    %mul3A_349 = arith.mulf %mul3A_348, %mul3A_343 : vector<32x200xf32>
    %mul3A_350 = arith.mulf %mul3A_349, %sub3A_346 : vector<32x200xf32>
    %mul3A_351 = arith.mulf %sub3A_346, %sub3A_346 : vector<32x200xf32>
    %mul3A_352 = arith.mulf %mul3A_343, %mul3A_343 : vector<32x200xf32>
    %sub3A_353 = arith.subf %mul3A_351, %mul3A_352 : vector<32x200xf32>
    %mul3A_354 = arith.constant 2.000000e+00 : f32
    %mul3A_355 = vector.broadcast %mul3A_354 : f32 to vector<32x200xf32>
    %mul3A_356 = arith.mulf %mul3A_355, %mul3A_350 : vector<32x200xf32>
    %mul3A_357 = arith.mulf %mul3A_356, %sub3A_353 : vector<32x200xf32>
    %mul3A_358 = arith.mulf %sub3A_353, %sub3A_353 : vector<32x200xf32>
    %mul3A_359 = arith.mulf %mul3A_350, %mul3A_350 : vector<32x200xf32>
    %sub3A_360 = arith.subf %mul3A_358, %mul3A_359 : vector<32x200xf32>
    %mul3A_361 = arith.constant 2.000000e+00 : f32
    %mul3A_362 = vector.broadcast %mul3A_361 : f32 to vector<32x200xf32>
    %mul3A_363 = arith.mulf %mul3A_362, %mul3A_357 : vector<32x200xf32>
    %mul3A_364 = arith.mulf %mul3A_363, %sub3A_360 : vector<32x200xf32>
    %mul3A_365 = arith.mulf %sub3A_360, %sub3A_360 : vector<32x200xf32>
    %mul3A_366 = arith.mulf %mul3A_357, %mul3A_357 : vector<32x200xf32>
    %sub3A_367 = arith.subf %mul3A_365, %mul3A_366 : vector<32x200xf32>
    %mul3A_368 = arith.constant 2.000000e+00 : f32
    %mul3A_369 = vector.broadcast %mul3A_368 : f32 to vector<32x200xf32>
    %mul3A_370 = arith.mulf %mul3A_369, %mul3A_364 : vector<32x200xf32>
    %mul3A_371 = arith.mulf %mul3A_370, %sub3A_367 : vector<32x200xf32>
    %mul3A_372 = arith.mulf %sub3A_367, %sub3A_367 : vector<32x200xf32>
    %mul3A_373 = arith.mulf %mul3A_364, %mul3A_364 : vector<32x200xf32>
    %sub3A_374 = arith.subf %mul3A_372, %mul3A_373 : vector<32x200xf32>
    %mul3A_375 = arith.constant 2.000000e+00 : f32
    %mul3A_376 = vector.broadcast %mul3A_375 : f32 to vector<32x200xf32>
    %mul3A_377 = arith.mulf %mul3A_376, %mul3A_371 : vector<32x200xf32>
    %mul3A_378 = arith.mulf %mul3A_377, %sub3A_374 : vector<32x200xf32>
    %mul3A_379 = arith.mulf %sub3A_374, %sub3A_374 : vector<32x200xf32>
    %mul3A_380 = arith.mulf %mul3A_371, %mul3A_371 : vector<32x200xf32>
    %sub3A_381 = arith.subf %mul3A_379, %mul3A_380 : vector<32x200xf32>
    %mul3A_382 = arith.constant 2.000000e+00 : f32
    %mul3A_383 = vector.broadcast %mul3A_382 : f32 to vector<32x200xf32>
    %mul3A_384 = arith.mulf %mul3A_383, %mul3A_378 : vector<32x200xf32>
    %mul3A_385 = arith.mulf %mul3A_384, %sub3A_381 : vector<32x200xf32>
    %mul3A_386 = arith.mulf %sub3A_381, %sub3A_381 : vector<32x200xf32>
    %mul3A_387 = arith.mulf %mul3A_378, %mul3A_378 : vector<32x200xf32>
    %sub3A_388 = arith.subf %mul3A_386, %mul3A_387 : vector<32x200xf32>
    %mul3A_389 = arith.constant 2.000000e+00 : f32
    %mul3A_390 = vector.broadcast %mul3A_389 : f32 to vector<32x200xf32>
    %mul3A_391 = arith.mulf %mul3A_390, %mul3A_385 : vector<32x200xf32>
    %mul3A_392 = arith.mulf %mul3A_391, %sub3A_388 : vector<32x200xf32>
    %mul3A_393 = arith.mulf %sub3A_388, %sub3A_388 : vector<32x200xf32>
    %mul3A_394 = arith.mulf %mul3A_385, %mul3A_385 : vector<32x200xf32>
    %sub3A_395 = arith.subf %mul3A_393, %mul3A_394 : vector<32x200xf32>
    %mul3A_396 = arith.constant 2.000000e+00 : f32
    %mul3A_397 = vector.broadcast %mul3A_396 : f32 to vector<32x200xf32>
    %mul3A_398 = arith.mulf %mul3A_397, %mul3A_392 : vector<32x200xf32>
    %mul3A_399 = arith.mulf %mul3A_398, %sub3A_395 : vector<32x200xf32>
    %mul3A_400 = arith.mulf %sub3A_395, %sub3A_395 : vector<32x200xf32>
    %mul3A_401 = arith.mulf %mul3A_392, %mul3A_392 : vector<32x200xf32>
    %sub3A_402 = arith.subf %mul3A_400, %mul3A_401 : vector<32x200xf32>
    %mul3A_403 = arith.constant 2.000000e+00 : f32
    %mul3A_404 = vector.broadcast %mul3A_403 : f32 to vector<32x200xf32>
    %mul3A_405 = arith.mulf %mul3A_404, %mul3A_399 : vector<32x200xf32>
    %mul3A_406 = arith.mulf %mul3A_405, %sub3A_402 : vector<32x200xf32>
    %mul3A_407 = arith.mulf %sub3A_402, %sub3A_402 : vector<32x200xf32>
    %mul3A_408 = arith.mulf %mul3A_399, %mul3A_399 : vector<32x200xf32>
    %sub3A_409 = arith.subf %mul3A_407, %mul3A_408 : vector<32x200xf32>
    %mul3A_410 = arith.constant 2.000000e+00 : f32
    %mul3A_411 = vector.broadcast %mul3A_410 : f32 to vector<32x200xf32>
    %mul3A_412 = arith.mulf %mul3A_411, %mul3A_406 : vector<32x200xf32>
    %mul3A_413 = arith.mulf %mul3A_412, %sub3A_409 : vector<32x200xf32>
    %mul3A_414 = arith.mulf %sub3A_409, %sub3A_409 : vector<32x200xf32>
    %mul3A_415 = arith.mulf %mul3A_406, %mul3A_406 : vector<32x200xf32>
    %sub3A_416 = arith.subf %mul3A_414, %mul3A_415 : vector<32x200xf32>
    %mul3A_417 = arith.constant 2.000000e+00 : f32
    %mul3A_418 = vector.broadcast %mul3A_417 : f32 to vector<32x200xf32>
    %mul3A_419 = arith.mulf %mul3A_418, %mul3A_413 : vector<32x200xf32>
    %mul3A_420 = arith.mulf %mul3A_419, %sub3A_416 : vector<32x200xf32>
    %mul3A_421 = arith.mulf %sub3A_416, %sub3A_416 : vector<32x200xf32>
    %mul3A_422 = arith.mulf %mul3A_413, %mul3A_413 : vector<32x200xf32>
    %sub3A_423 = arith.subf %mul3A_421, %mul3A_422 : vector<32x200xf32>
    %mul3A_424 = arith.constant 2.000000e+00 : f32
    %mul3A_425 = vector.broadcast %mul3A_424 : f32 to vector<32x200xf32>
    %mul3A_426 = arith.mulf %mul3A_425, %mul3A_420 : vector<32x200xf32>
    %mul3A_427 = arith.mulf %mul3A_426, %sub3A_423 : vector<32x200xf32>
    %mul3A_428 = arith.mulf %sub3A_423, %sub3A_423 : vector<32x200xf32>
    %mul3A_429 = arith.mulf %mul3A_420, %mul3A_420 : vector<32x200xf32>
    %sub3A_430 = arith.subf %mul3A_428, %mul3A_429 : vector<32x200xf32>
    %mul3A_431 = arith.constant 2.000000e+00 : f32
    %mul3A_432 = vector.broadcast %mul3A_431 : f32 to vector<32x200xf32>
    %mul3A_433 = arith.mulf %mul3A_432, %mul3A_427 : vector<32x200xf32>
    %mul3A_434 = arith.mulf %mul3A_433, %sub3A_430 : vector<32x200xf32>
    %mul3A_435 = arith.mulf %sub3A_430, %sub3A_430 : vector<32x200xf32>
    %mul3A_436 = arith.mulf %mul3A_427, %mul3A_427 : vector<32x200xf32>
    %sub3A_437 = arith.subf %mul3A_435, %mul3A_436 : vector<32x200xf32>
    %stack3A = vector.shape_cast %sin3A : vector<32x200xf32> to vector<1x32x200xf32>
    %stack3A_438 = vector.shape_cast %mul3A_7 : vector<32x200xf32> to vector<1x32x200xf32>
    %stack3A_439 = vector.shape_cast %mul3A_13 : vector<32x200xf32> to vector<1x32x200xf32>
    %stack3A_440 = vector.shape_cast %mul3A_20 : vector<32x200xf32> to vector<1x32x200xf32>
    %stack3A_441 = vector.shape_cast %mul3A_27 : vector<32x200xf32> to vector<1x32x200xf32>
    %stack3A_442 = vector.shape_cast %mul3A_34 : vector<32x200xf32> to vector<1x32x200xf32>
    %stack3A_443 = vector.shape_cast %mul3A_41 : vector<32x200xf32> to vector<1x32x200xf32>
    %stack3A_444 = vector.shape_cast %mul3A_48 : vector<32x200xf32> to vector<1x32x200xf32>
    %stack3A_445 = vector.shape_cast %mul3A_55 : vector<32x200xf32> to vector<1x32x200xf32>
    %stack3A_446 = vector.shape_cast %mul3A_62 : vector<32x200xf32> to vector<1x32x200xf32>
    %stack3A_447 = vector.shape_cast %mul3A_69 : vector<32x200xf32> to vector<1x32x200xf32>
    %stack3A_448 = vector.shape_cast %mul3A_76 : vector<32x200xf32> to vector<1x32x200xf32>
    %stack3A_449 = vector.shape_cast %mul3A_83 : vector<32x200xf32> to vector<1x32x200xf32>
    %stack3A_450 = vector.shape_cast %mul3A_90 : vector<32x200xf32> to vector<1x32x200xf32>
    %stack3A_451 = vector.shape_cast %mul3A_97 : vector<32x200xf32> to vector<1x32x200xf32>
    %stack3A_452 = vector.shape_cast %mul3A_104 : vector<32x200xf32> to vector<1x32x200xf32>
    %stack3A_453 = vector.shape_cast %sin3A_111 : vector<32x200xf32> to vector<1x32x200xf32>
    %stack3A_454 = vector.shape_cast %mul3A_116 : vector<32x200xf32> to vector<1x32x200xf32>
    %stack3A_455 = vector.shape_cast %mul3A_123 : vector<32x200xf32> to vector<1x32x200xf32>
    %stack3A_456 = vector.shape_cast %mul3A_130 : vector<32x200xf32> to vector<1x32x200xf32>
    %stack3A_457 = vector.shape_cast %mul3A_137 : vector<32x200xf32> to vector<1x32x200xf32>
    %stack3A_458 = vector.shape_cast %mul3A_144 : vector<32x200xf32> to vector<1x32x200xf32>
    %stack3A_459 = vector.shape_cast %mul3A_151 : vector<32x200xf32> to vector<1x32x200xf32>
    %stack3A_460 = vector.shape_cast %mul3A_158 : vector<32x200xf32> to vector<1x32x200xf32>
    %stack3A_461 = vector.shape_cast %mul3A_165 : vector<32x200xf32> to vector<1x32x200xf32>
    %stack3A_462 = vector.shape_cast %mul3A_172 : vector<32x200xf32> to vector<1x32x200xf32>
    %stack3A_463 = vector.shape_cast %mul3A_179 : vector<32x200xf32> to vector<1x32x200xf32>
    %stack3A_464 = vector.shape_cast %mul3A_186 : vector<32x200xf32> to vector<1x32x200xf32>
    %stack3A_465 = vector.shape_cast %mul3A_193 : vector<32x200xf32> to vector<1x32x200xf32>
    %stack3A_466 = vector.shape_cast %mul3A_200 : vector<32x200xf32> to vector<1x32x200xf32>
    %stack3A_467 = vector.shape_cast %mul3A_207 : vector<32x200xf32> to vector<1x32x200xf32>
    %stack3A_468 = vector.shape_cast %mul3A_214 : vector<32x200xf32> to vector<1x32x200xf32>
    %stack3A_469 = vector.shape_cast %sin3A_221 : vector<32x200xf32> to vector<1x32x200xf32>
    %stack3A_470 = vector.shape_cast %mul3A_226 : vector<32x200xf32> to vector<1x32x200xf32>
    %stack3A_471 = vector.shape_cast %mul3A_233 : vector<32x200xf32> to vector<1x32x200xf32>
    %stack3A_472 = vector.shape_cast %mul3A_240 : vector<32x200xf32> to vector<1x32x200xf32>
    %stack3A_473 = vector.shape_cast %mul3A_247 : vector<32x200xf32> to vector<1x32x200xf32>
    %stack3A_474 = vector.shape_cast %mul3A_254 : vector<32x200xf32> to vector<1x32x200xf32>
    %stack3A_475 = vector.shape_cast %mul3A_261 : vector<32x200xf32> to vector<1x32x200xf32>
    %stack3A_476 = vector.shape_cast %mul3A_268 : vector<32x200xf32> to vector<1x32x200xf32>
    %stack3A_477 = vector.shape_cast %mul3A_275 : vector<32x200xf32> to vector<1x32x200xf32>
    %stack3A_478 = vector.shape_cast %mul3A_282 : vector<32x200xf32> to vector<1x32x200xf32>
    %stack3A_479 = vector.shape_cast %mul3A_289 : vector<32x200xf32> to vector<1x32x200xf32>
    %stack3A_480 = vector.shape_cast %mul3A_296 : vector<32x200xf32> to vector<1x32x200xf32>
    %stack3A_481 = vector.shape_cast %mul3A_303 : vector<32x200xf32> to vector<1x32x200xf32>
    %stack3A_482 = vector.shape_cast %mul3A_310 : vector<32x200xf32> to vector<1x32x200xf32>
    %stack3A_483 = vector.shape_cast %mul3A_317 : vector<32x200xf32> to vector<1x32x200xf32>
    %stack3A_484 = vector.shape_cast %mul3A_324 : vector<32x200xf32> to vector<1x32x200xf32>
    %stack3A_485 = vector.shape_cast %sin3A_331 : vector<32x200xf32> to vector<1x32x200xf32>
    %stack3A_486 = vector.shape_cast %mul3A_336 : vector<32x200xf32> to vector<1x32x200xf32>
    %stack3A_487 = vector.shape_cast %mul3A_343 : vector<32x200xf32> to vector<1x32x200xf32>
    %stack3A_488 = vector.shape_cast %mul3A_350 : vector<32x200xf32> to vector<1x32x200xf32>
    %stack3A_489 = vector.shape_cast %mul3A_357 : vector<32x200xf32> to vector<1x32x200xf32>
    %stack3A_490 = vector.shape_cast %mul3A_364 : vector<32x200xf32> to vector<1x32x200xf32>
    %stack3A_491 = vector.shape_cast %mul3A_371 : vector<32x200xf32> to vector<1x32x200xf32>
    %stack3A_492 = vector.shape_cast %mul3A_378 : vector<32x200xf32> to vector<1x32x200xf32>
    %stack3A_493 = vector.shape_cast %mul3A_385 : vector<32x200xf32> to vector<1x32x200xf32>
    %stack3A_494 = vector.shape_cast %mul3A_392 : vector<32x200xf32> to vector<1x32x200xf32>
    %stack3A_495 = vector.shape_cast %mul3A_399 : vector<32x200xf32> to vector<1x32x200xf32>
    %stack3A_496 = vector.shape_cast %mul3A_406 : vector<32x200xf32> to vector<1x32x200xf32>
    %stack3A_497 = vector.shape_cast %mul3A_413 : vector<32x200xf32> to vector<1x32x200xf32>
    %stack3A_498 = vector.shape_cast %mul3A_420 : vector<32x200xf32> to vector<1x32x200xf32>
    %stack3A_499 = vector.shape_cast %mul3A_427 : vector<32x200xf32> to vector<1x32x200xf32>
    %stack3A_500 = vector.shape_cast %mul3A_434 : vector<32x200xf32> to vector<1x32x200xf32>
    %stack3A_501 = vector.shape_cast %cos3A : vector<32x200xf32> to vector<1x32x200xf32>
    %stack3A_502 = vector.shape_cast %sub3A : vector<32x200xf32> to vector<1x32x200xf32>
    %stack3A_503 = vector.shape_cast %sub3A_16 : vector<32x200xf32> to vector<1x32x200xf32>
    %stack3A_504 = vector.shape_cast %sub3A_23 : vector<32x200xf32> to vector<1x32x200xf32>
    %stack3A_505 = vector.shape_cast %sub3A_30 : vector<32x200xf32> to vector<1x32x200xf32>
    %stack3A_506 = vector.shape_cast %sub3A_37 : vector<32x200xf32> to vector<1x32x200xf32>
    %stack3A_507 = vector.shape_cast %sub3A_44 : vector<32x200xf32> to vector<1x32x200xf32>
    %stack3A_508 = vector.shape_cast %sub3A_51 : vector<32x200xf32> to vector<1x32x200xf32>
    %stack3A_509 = vector.shape_cast %sub3A_58 : vector<32x200xf32> to vector<1x32x200xf32>
    %stack3A_510 = vector.shape_cast %sub3A_65 : vector<32x200xf32> to vector<1x32x200xf32>
    %stack3A_511 = vector.shape_cast %sub3A_72 : vector<32x200xf32> to vector<1x32x200xf32>
    %stack3A_512 = vector.shape_cast %sub3A_79 : vector<32x200xf32> to vector<1x32x200xf32>
    %stack3A_513 = vector.shape_cast %sub3A_86 : vector<32x200xf32> to vector<1x32x200xf32>
    %stack3A_514 = vector.shape_cast %sub3A_93 : vector<32x200xf32> to vector<1x32x200xf32>
    %stack3A_515 = vector.shape_cast %sub3A_100 : vector<32x200xf32> to vector<1x32x200xf32>
    %stack3A_516 = vector.shape_cast %sub3A_107 : vector<32x200xf32> to vector<1x32x200xf32>
    %stack3A_517 = vector.shape_cast %cos3A_112 : vector<32x200xf32> to vector<1x32x200xf32>
    %stack3A_518 = vector.shape_cast %sub3A_119 : vector<32x200xf32> to vector<1x32x200xf32>
    %stack3A_519 = vector.shape_cast %sub3A_126 : vector<32x200xf32> to vector<1x32x200xf32>
    %stack3A_520 = vector.shape_cast %sub3A_133 : vector<32x200xf32> to vector<1x32x200xf32>
    %stack3A_521 = vector.shape_cast %sub3A_140 : vector<32x200xf32> to vector<1x32x200xf32>
    %stack3A_522 = vector.shape_cast %sub3A_147 : vector<32x200xf32> to vector<1x32x200xf32>
    %stack3A_523 = vector.shape_cast %sub3A_154 : vector<32x200xf32> to vector<1x32x200xf32>
    %stack3A_524 = vector.shape_cast %sub3A_161 : vector<32x200xf32> to vector<1x32x200xf32>
    %stack3A_525 = vector.shape_cast %sub3A_168 : vector<32x200xf32> to vector<1x32x200xf32>
    %stack3A_526 = vector.shape_cast %sub3A_175 : vector<32x200xf32> to vector<1x32x200xf32>
    %stack3A_527 = vector.shape_cast %sub3A_182 : vector<32x200xf32> to vector<1x32x200xf32>
    %stack3A_528 = vector.shape_cast %sub3A_189 : vector<32x200xf32> to vector<1x32x200xf32>
    %stack3A_529 = vector.shape_cast %sub3A_196 : vector<32x200xf32> to vector<1x32x200xf32>
    %stack3A_530 = vector.shape_cast %sub3A_203 : vector<32x200xf32> to vector<1x32x200xf32>
    %stack3A_531 = vector.shape_cast %sub3A_210 : vector<32x200xf32> to vector<1x32x200xf32>
    %stack3A_532 = vector.shape_cast %sub3A_217 : vector<32x200xf32> to vector<1x32x200xf32>
    %stack3A_533 = vector.shape_cast %cos3A_222 : vector<32x200xf32> to vector<1x32x200xf32>
    %stack3A_534 = vector.shape_cast %sub3A_229 : vector<32x200xf32> to vector<1x32x200xf32>
    %stack3A_535 = vector.shape_cast %sub3A_236 : vector<32x200xf32> to vector<1x32x200xf32>
    %stack3A_536 = vector.shape_cast %sub3A_243 : vector<32x200xf32> to vector<1x32x200xf32>
    %stack3A_537 = vector.shape_cast %sub3A_250 : vector<32x200xf32> to vector<1x32x200xf32>
    %stack3A_538 = vector.shape_cast %sub3A_257 : vector<32x200xf32> to vector<1x32x200xf32>
    %stack3A_539 = vector.shape_cast %sub3A_264 : vector<32x200xf32> to vector<1x32x200xf32>
    %stack3A_540 = vector.shape_cast %sub3A_271 : vector<32x200xf32> to vector<1x32x200xf32>
    %stack3A_541 = vector.shape_cast %sub3A_278 : vector<32x200xf32> to vector<1x32x200xf32>
    %stack3A_542 = vector.shape_cast %sub3A_285 : vector<32x200xf32> to vector<1x32x200xf32>
    %stack3A_543 = vector.shape_cast %sub3A_292 : vector<32x200xf32> to vector<1x32x200xf32>
    %stack3A_544 = vector.shape_cast %sub3A_299 : vector<32x200xf32> to vector<1x32x200xf32>
    %stack3A_545 = vector.shape_cast %sub3A_306 : vector<32x200xf32> to vector<1x32x200xf32>
    %stack3A_546 = vector.shape_cast %sub3A_313 : vector<32x200xf32> to vector<1x32x200xf32>
    %stack3A_547 = vector.shape_cast %sub3A_320 : vector<32x200xf32> to vector<1x32x200xf32>
    %stack3A_548 = vector.shape_cast %sub3A_327 : vector<32x200xf32> to vector<1x32x200xf32>
    %stack3A_549 = vector.shape_cast %cos3A_332 : vector<32x200xf32> to vector<1x32x200xf32>
    %stack3A_550 = vector.shape_cast %sub3A_339 : vector<32x200xf32> to vector<1x32x200xf32>
    %stack3A_551 = vector.shape_cast %sub3A_346 : vector<32x200xf32> to vector<1x32x200xf32>
    %stack3A_552 = vector.shape_cast %sub3A_353 : vector<32x200xf32> to vector<1x32x200xf32>
    %stack3A_553 = vector.shape_cast %sub3A_360 : vector<32x200xf32> to vector<1x32x200xf32>
    %stack3A_554 = vector.shape_cast %sub3A_367 : vector<32x200xf32> to vector<1x32x200xf32>
    %stack3A_555 = vector.shape_cast %sub3A_374 : vector<32x200xf32> to vector<1x32x200xf32>
    %stack3A_556 = vector.shape_cast %sub3A_381 : vector<32x200xf32> to vector<1x32x200xf32>
    %stack3A_557 = vector.shape_cast %sub3A_388 : vector<32x200xf32> to vector<1x32x200xf32>
    %stack3A_558 = vector.shape_cast %sub3A_395 : vector<32x200xf32> to vector<1x32x200xf32>
    %stack3A_559 = vector.shape_cast %sub3A_402 : vector<32x200xf32> to vector<1x32x200xf32>
    %stack3A_560 = vector.shape_cast %sub3A_409 : vector<32x200xf32> to vector<1x32x200xf32>
    %stack3A_561 = vector.shape_cast %sub3A_416 : vector<32x200xf32> to vector<1x32x200xf32>
    %stack3A_562 = vector.shape_cast %sub3A_423 : vector<32x200xf32> to vector<1x32x200xf32>
    %stack3A_563 = vector.shape_cast %sub3A_430 : vector<32x200xf32> to vector<1x32x200xf32>
    %stack3A_564 = vector.shape_cast %sub3A_437 : vector<32x200xf32> to vector<1x32x200xf32>
    %stack3A_565 = tpu.concatenate %stack3A, %stack3A_438, %stack3A_439, %stack3A_440, %stack3A_441, %stack3A_442, %stack3A_443, %stack3A_444, %stack3A_445, %stack3A_446, %stack3A_447, %stack3A_448, %stack3A_449, %stack3A_450, %stack3A_451, %stack3A_452, %stack3A_453, %stack3A_454, %stack3A_455, %stack3A_456, %stack3A_457, %stack3A_458, %stack3A_459, %stack3A_460, %stack3A_461, %stack3A_462, %stack3A_463, %stack3A_464, %stack3A_465, %stack3A_466, %stack3A_467, %stack3A_468, %stack3A_469, %stack3A_470, %stack3A_471, %stack3A_472, %stack3A_473, %stack3A_474, %stack3A_475, %stack3A_476, %stack3A_477, %stack3A_478, %stack3A_479, %stack3A_480, %stack3A_481, %stack3A_482, %stack3A_483, %stack3A_484, %stack3A_485, %stack3A_486, %stack3A_487, %stack3A_488, %stack3A_489, %stack3A_490, %stack3A_491, %stack3A_492, %stack3A_493, %stack3A_494, %stack3A_495, %stack3A_496, %stack3A_497, %stack3A_498, %stack3A_499, %stack3A_500, %stack3A_501, %stack3A_502, %stack3A_503, %stack3A_504, %stack3A_505, %stack3A_506, %stack3A_507, %stack3A_508, %stack3A_509, %stack3A_510, %stack3A_511, %stack3A_512, %stack3A_513, %stack3A_514, %stack3A_515, %stack3A_516, %stack3A_517, %stack3A_518, %stack3A_519, %stack3A_520, %stack3A_521, %stack3A_522, %stack3A_523, %stack3A_524, %stack3A_525, %stack3A_526, %stack3A_527, %stack3A_528, %stack3A_529, %stack3A_530, %stack3A_531, %stack3A_532, %stack3A_533, %stack3A_534, %stack3A_535, %stack3A_536, %stack3A_537, %stack3A_538, %stack3A_539, %stack3A_540, %stack3A_541, %stack3A_542, %stack3A_543, %stack3A_544, %stack3A_545, %stack3A_546, %stack3A_547, %stack3A_548, %stack3A_549, %stack3A_550, %stack3A_551, %stack3A_552, %stack3A_553, %stack3A_554, %stack3A_555, %stack3A_556, %stack3A_557, %stack3A_558, %stack3A_559, %stack3A_560, %stack3A_561, %stack3A_562, %stack3A_563, %stack3A_564 in 0 : vector<1x32x200xf32>, vector<1x32x200xf32>, vector<1x32x200xf32>, vector<1x32x200xf32>, vector<1x32x200xf32>, vector<1x32x200xf32>, vector<1x32x200xf32>, vector<1x32x200xf32>, vector<1x32x200xf32>, vector<1x32x200xf32>, vector<1x32x200xf32>, vector<1x32x200xf32>, vector<1x32x200xf32>, vector<1x32x200xf32>, vector<1x32x200xf32>, vector<1x32x200xf32>, vector<1x32x200xf32>, vector<1x32x200xf32>, vector<1x32x200xf32>, vector<1x32x200xf32>, vector<1x32x200xf32>, vector<1x32x200xf32>, vector<1x32x200xf32>, vector<1x32x200xf32>, vector<1x32x200xf32>, vector<1x32x200xf32>, vector<1x32x200xf32>, vector<1x32x200xf32>, vector<1x32x200xf32>, vector<1x32x200xf32>, vector<1x32x200xf32>, vector<1x32x200xf32>, vector<1x32x200xf32>, vector<1x32x200xf32>, vector<1x32x200xf32>, vector<1x32x200xf32>, vector<1x32x200xf32>, vector<1x32x200xf32>, vector<1x32x200xf32>, vector<1x32x200xf32>, vector<1x32x200xf32>, vector<1x32x200xf32>, vector<1x32x200xf32>, vector<1x32x200xf32>, vector<1x32x200xf32>, vector<1x32x200xf32>, vector<1x32x200xf32>, vector<1x32x200xf32>, vector<1x32x200xf32>, vector<1x32x200xf32>, vector<1x32x200xf32>, vector<1x32x200xf32>, vector<1x32x200xf32>, vector<1x32x200xf32>, vector<1x32x200xf32>, vector<1x32x200xf32>, vector<1x32x200xf32>, vector<1x32x200xf32>, vector<1x32x200xf32>, vector<1x32x200xf32>, vector<1x32x200xf32>, vector<1x32x200xf32>, vector<1x32x200xf32>, vector<1x32x200xf32>, vector<1x32x200xf32>, vector<1x32x200xf32>, vector<1x32x200xf32>, vector<1x32x200xf32>, vector<1x32x200xf32>, vector<1x32x200xf32>, vector<1x32x200xf32>, vector<1x32x200xf32>, vector<1x32x200xf32>, vector<1x32x200xf32>, vector<1x32x200xf32>, vector<1x32x200xf32>, vector<1x32x200xf32>, vector<1x32x200xf32>, vector<1x32x200xf32>, vector<1x32x200xf32>, vector<1x32x200xf32>, vector<1x32x200xf32>, vector<1x32x200xf32>, vector<1x32x200xf32>, vector<1x32x200xf32>, vector<1x32x200xf32>, vector<1x32x200xf32>, vector<1x32x200xf32>, vector<1x32x200xf32>, vector<1x32x200xf32>, vector<1x32x200xf32>, vector<1x32x200xf32>, vector<1x32x200xf32>, vector<1x32x200xf32>, vector<1x32x200xf32>, vector<1x32x200xf32>, vector<1x32x200xf32>, vector<1x32x200xf32>, vector<1x32x200xf32>, vector<1x32x200xf32>, vector<1x32x200xf32>, vector<1x32x200xf32>, vector<1x32x200xf32>, vector<1x32x200xf32>, vector<1x32x200xf32>, vector<1x32x200xf32>, vector<1x32x200xf32>, vector<1x32x200xf32>, vector<1x32x200xf32>, vector<1x32x200xf32>, vector<1x32x200xf32>, vector<1x32x200xf32>, vector<1x32x200xf32>, vector<1x32x200xf32>, vector<1x32x200xf32>, vector<1x32x200xf32>, vector<1x32x200xf32>, vector<1x32x200xf32>, vector<1x32x200xf32>, vector<1x32x200xf32>, vector<1x32x200xf32>, vector<1x32x200xf32>, vector<1x32x200xf32>, vector<1x32x200xf32>, vector<1x32x200xf32>, vector<1x32x200xf32>, vector<1x32x200xf32>, vector<1x32x200xf32> -> vector<128x32x200xf32>
    %iota3A = tpu.iota {dimensions = array<i32: 0>} : vector<128x128xi32>
    %iota3A_566 = tpu.iota {dimensions = array<i32: 1>} : vector<128x128xi32>
    %eq3A = arith.cmpi eq, %iota3A, %iota3A_566 : vector<128x128xi32>
    %convert_element_type3A_567 = arith.extui %eq3A : vector<128x128xi1> to vector<128x128xi32>
    %convert_element_type3A_568 = arith.sitofp %convert_element_type3A_567 : vector<128x128xi32> to vector<128x128xf32>
    %dot_general3A = arith.constant dense<0.000000e+00> : vector<32x200x128xf32>
    %dot_general3A_569 = tpu.matmul %stack3A_565, %convert_element_type3A_568, %dot_general3A {dimension_numbers = #tpu.dot_dimension_numbers<[0], [0], [1, 2], [1], [0, 1, 0, 2, 1, 1], [], []>, transpose_lhs_hint = false} : vector<128x32x200xf32>, vector<128x128xf32>, vector<32x200x128xf32> -> vector<32x200x128xf32>
    %reshape3A = vector.shape_cast %dot_general3A_569 : vector<32x200x128xf32> to vector<32x25x8x128xf32>
    %iota3A_570 = tpu.iota {dimensions = array<i32: 2>} : vector<32x25x8x128xi32>
    %eq3A_571 = arith.constant 0 : i32
    %eq3A_572 = vector.broadcast %eq3A_571 : i32 to vector<32x25x8x128xi32>
    %eq3A_573 = arith.cmpi eq, %iota3A_570, %eq3A_572 : vector<32x25x8x128xi32>
    %get3A_574 = arith.constant 0 : index
    %get3A_575 = arith.constant 0 : index
    %get3A_576 = arith.constant 0 : index
    %get3A_577 = arith.constant 0 : index
    %get3A_578 = vector.load %arg2[%get3A_574, %get3A_575, %get3A_576, %get3A_577] : memref<32x25x1x128xf32, #tpu.memory_space<vmem>>, vector<32x25x1x128xf32>
    %broadcast_in_dim3A = vector.shape_cast %get3A_578 : vector<32x25x1x128xf32> to vector<32x25x1x128xf32>
    %broadcast_in_dim3A_579 = vector.broadcast %broadcast_in_dim3A : vector<32x25x1x128xf32> to vector<32x25x8x128xf32>
    %select_n3A = arith.select %eq3A_573, %broadcast_in_dim3A_579, %reshape3A : vector<32x25x8x128xi1>, vector<32x25x8x128xf32>
    %swap3A = arith.constant 0 : index
    %swap3A_580 = arith.constant 0 : index
    %swap3A_581 = arith.constant 0 : index
    %swap3A_582 = arith.constant 0 : index
    %swap3A_583 = vector.load %arg3[%swap3A, %swap3A_580, %swap3A_581, %swap3A_582] : memref<32x25x8x128xf32, #tpu.memory_space<vmem>>, vector<32x25x8x128xf32>
    tpu.vector_store %arg3[%swap3A, %swap3A_580, %swap3A_581, %swap3A_582], %select_n3A {strides = array<i32>} : memref<32x25x8x128xf32, #tpu.memory_space<vmem>>, vector<32x25x8x128xf32>,
    return
  }
  func.func @transform_0(%arg0: i32) -> (i32, i32) {
    %c0_i32 = arith.constant 0 : i32
    %c0_i32_0 = arith.constant 0 : i32
    return %arg0, %c0_i32 : i32, i32
  }
  func.func @transform_1(%arg0: i32) -> (i32, i32, i32, i32) {
    %c0_i32 = arith.constant 0 : i32
    %c0_i32_0 = arith.constant 0 : i32
    %c0_i32_1 = arith.constant 0 : i32
    %c0_i32_2 = arith.constant 0 : i32
    return %arg0, %c0_i32, %c0_i32_0, %c0_i32_1 : i32, i32, i32, i32
  }
  func.func @transform_2(%arg0: i32) -> (i32, i32, i32, i32) {
    %c0_i32 = arith.constant 0 : i32
    %c0_i32_0 = arith.constant 0 : i32
    %c0_i32_1 = arith.constant 0 : i32
    %c0_i32_2 = arith.constant 0 : i32
    return %arg0, %c0_i32, %c0_i32_0, %c0_i32_1 : i32, i32, i32, i32
  }
}

module attributes {stable_mosaic.version = 14 : i64} {
  func.func @_tc_body2(%arg0: i32, %arg1: memref<32x200xi32, #tpu.memory_space<vmem>>, %arg2: memref<32x25x1x128xf32, #tpu.memory_space<vmem>>, %arg3: memref<1024x25x8x128xf32, #tpu.memory_space<hbm>>, %arg4: memref<32x25x8x128xf32, #tpu.memory_space<vmem>>) attributes {dimension_semantics = [#tpu.dimension_semantics<arbitrary>], iteration_bounds = array<i64: 16>, scalar_prefetch = 0 : i64, scratch_operands = 0 : i64, tpu.core_type = #tpu.core_type<tc>, window_params = [{transform_indices = @transform_0, window_bounds = array<i64: 32, 200>}, {transform_indices = @transform_1, window_bounds = array<i64: 32, 25, 1, 128>}, {}, {transform_indices = @transform_3, window_bounds = array<i64: 32, 25, 8, 128>}]} {
    %get3A = arith.constant 0 : index
    %get3A_0 = arith.constant 0 : index
    %get3A_1 = vector.load %arg1[%get3A, %get3A_0] : memref<32x200xi32, #tpu.memory_space<vmem>>, vector<32x200xi32>
    %convert_element_type3A = arith.sitofp %get3A_1 : vector<32x200xi32> to vector<32x200xf32>
    %mul3A = arith.constant 3.14159274 : f32
    %mul3A_2 = vector.broadcast %mul3A : f32 to vector<32x200xf32>
    %mul3A_3 = arith.mulf %convert_element_type3A, %mul3A_2 : vector<32x200xf32>
    %sin3A = math.sin %mul3A_3 : vector<32x200xf32>
    %cos3A = math.cos %mul3A_3 : vector<32x200xf32>
    %mul3A_4 = arith.constant 2.000000e+00 : f32
    %mul3A_5 = vector.broadcast %mul3A_4 : f32 to vector<32x200xf32>
    %mul3A_6 = arith.mulf %mul3A_5, %sin3A : vector<32x200xf32>
    %mul3A_7 = arith.mulf %mul3A_6, %cos3A : vector<32x200xf32>
    %mul3A_8 = arith.mulf %cos3A, %cos3A : vector<32x200xf32>
    %mul3A_9 = arith.mulf %sin3A, %sin3A : vector<32x200xf32>
    %sub3A = arith.subf %mul3A_8, %mul3A_9 : vector<32x200xf32>
    %mul3A_10 = arith.constant 2.000000e+00 : f32
    %mul3A_11 = vector.broadcast %mul3A_10 : f32 to vector<32x200xf32>
    %mul3A_12 = arith.mulf %mul3A_11, %mul3A_7 : vector<32x200xf32>
    %mul3A_13 = arith.mulf %mul3A_12, %sub3A : vector<32x200xf32>
    %mul3A_14 = arith.mulf %sub3A, %sub3A : vector<32x200xf32>
    %mul3A_15 = arith.mulf %mul3A_7, %mul3A_7 : vector<32x200xf32>
    %sub3A_16 = arith.subf %mul3A_14, %mul3A_15 : vector<32x200xf32>
    %mul3A_17 = arith.constant 2.000000e+00 : f32
    %mul3A_18 = vector.broadcast %mul3A_17 : f32 to vector<32x200xf32>
    %mul3A_19 = arith.mulf %mul3A_18, %mul3A_13 : vector<32x200xf32>
    %mul3A_20 = arith.mulf %mul3A_19, %sub3A_16 : vector<32x200xf32>
    %mul3A_21 = arith.mulf %sub3A_16, %sub3A_16 : vector<32x200xf32>
    %mul3A_22 = arith.mulf %mul3A_13, %mul3A_13 : vector<32x200xf32>
    %sub3A_23 = arith.subf %mul3A_21, %mul3A_22 : vector<32x200xf32>
    %mul3A_24 = arith.constant 2.000000e+00 : f32
    %mul3A_25 = vector.broadcast %mul3A_24 : f32 to vector<32x200xf32>
    %mul3A_26 = arith.mulf %mul3A_25, %mul3A_20 : vector<32x200xf32>
    %mul3A_27 = arith.mulf %mul3A_26, %sub3A_23 : vector<32x200xf32>
    %mul3A_28 = arith.mulf %sub3A_23, %sub3A_23 : vector<32x200xf32>
    %mul3A_29 = arith.mulf %mul3A_20, %mul3A_20 : vector<32x200xf32>
    %sub3A_30 = arith.subf %mul3A_28, %mul3A_29 : vector<32x200xf32>
    %mul3A_31 = arith.constant 2.000000e+00 : f32
    %mul3A_32 = vector.broadcast %mul3A_31 : f32 to vector<32x200xf32>
    %mul3A_33 = arith.mulf %mul3A_32, %mul3A_27 : vector<32x200xf32>
    %mul3A_34 = arith.mulf %mul3A_33, %sub3A_30 : vector<32x200xf32>
    %mul3A_35 = arith.mulf %sub3A_30, %sub3A_30 : vector<32x200xf32>
    %mul3A_36 = arith.mulf %mul3A_27, %mul3A_27 : vector<32x200xf32>
    %sub3A_37 = arith.subf %mul3A_35, %mul3A_36 : vector<32x200xf32>
    %mul3A_38 = arith.constant 2.000000e+00 : f32
    %mul3A_39 = vector.broadcast %mul3A_38 : f32 to vector<32x200xf32>
    %mul3A_40 = arith.mulf %mul3A_39, %mul3A_34 : vector<32x200xf32>
    %mul3A_41 = arith.mulf %mul3A_40, %sub3A_37 : vector<32x200xf32>
    %mul3A_42 = arith.mulf %sub3A_37, %sub3A_37 : vector<32x200xf32>
    %mul3A_43 = arith.mulf %mul3A_34, %mul3A_34 : vector<32x200xf32>
    %sub3A_44 = arith.subf %mul3A_42, %mul3A_43 : vector<32x200xf32>
    %mul3A_45 = arith.constant 2.000000e+00 : f32
    %mul3A_46 = vector.broadcast %mul3A_45 : f32 to vector<32x200xf32>
    %mul3A_47 = arith.mulf %mul3A_46, %mul3A_41 : vector<32x200xf32>
    %mul3A_48 = arith.mulf %mul3A_47, %sub3A_44 : vector<32x200xf32>
    %mul3A_49 = arith.mulf %sub3A_44, %sub3A_44 : vector<32x200xf32>
    %mul3A_50 = arith.mulf %mul3A_41, %mul3A_41 : vector<32x200xf32>
    %sub3A_51 = arith.subf %mul3A_49, %mul3A_50 : vector<32x200xf32>
    %mul3A_52 = arith.constant 2.000000e+00 : f32
    %mul3A_53 = vector.broadcast %mul3A_52 : f32 to vector<32x200xf32>
    %mul3A_54 = arith.mulf %mul3A_53, %mul3A_48 : vector<32x200xf32>
    %mul3A_55 = arith.mulf %mul3A_54, %sub3A_51 : vector<32x200xf32>
    %mul3A_56 = arith.mulf %sub3A_51, %sub3A_51 : vector<32x200xf32>
    %mul3A_57 = arith.mulf %mul3A_48, %mul3A_48 : vector<32x200xf32>
    %sub3A_58 = arith.subf %mul3A_56, %mul3A_57 : vector<32x200xf32>
    %mul3A_59 = arith.constant 2.000000e+00 : f32
    %mul3A_60 = vector.broadcast %mul3A_59 : f32 to vector<32x200xf32>
    %mul3A_61 = arith.mulf %mul3A_60, %mul3A_55 : vector<32x200xf32>
    %mul3A_62 = arith.mulf %mul3A_61, %sub3A_58 : vector<32x200xf32>
    %mul3A_63 = arith.mulf %sub3A_58, %sub3A_58 : vector<32x200xf32>
    %mul3A_64 = arith.mulf %mul3A_55, %mul3A_55 : vector<32x200xf32>
    %sub3A_65 = arith.subf %mul3A_63, %mul3A_64 : vector<32x200xf32>
    %mul3A_66 = arith.constant 2.000000e+00 : f32
    %mul3A_67 = vector.broadcast %mul3A_66 : f32 to vector<32x200xf32>
    %mul3A_68 = arith.mulf %mul3A_67, %mul3A_62 : vector<32x200xf32>
    %mul3A_69 = arith.mulf %mul3A_68, %sub3A_65 : vector<32x200xf32>
    %mul3A_70 = arith.mulf %sub3A_65, %sub3A_65 : vector<32x200xf32>
    %mul3A_71 = arith.mulf %mul3A_62, %mul3A_62 : vector<32x200xf32>
    %sub3A_72 = arith.subf %mul3A_70, %mul3A_71 : vector<32x200xf32>
    %mul3A_73 = arith.constant 2.000000e+00 : f32
    %mul3A_74 = vector.broadcast %mul3A_73 : f32 to vector<32x200xf32>
    %mul3A_75 = arith.mulf %mul3A_74, %mul3A_69 : vector<32x200xf32>
    %mul3A_76 = arith.mulf %mul3A_75, %sub3A_72 : vector<32x200xf32>
    %mul3A_77 = arith.mulf %sub3A_72, %sub3A_72 : vector<32x200xf32>
    %mul3A_78 = arith.mulf %mul3A_69, %mul3A_69 : vector<32x200xf32>
    %sub3A_79 = arith.subf %mul3A_77, %mul3A_78 : vector<32x200xf32>
    %mul3A_80 = arith.constant 2.000000e+00 : f32
    %mul3A_81 = vector.broadcast %mul3A_80 : f32 to vector<32x200xf32>
    %mul3A_82 = arith.mulf %mul3A_81, %mul3A_76 : vector<32x200xf32>
    %mul3A_83 = arith.mulf %mul3A_82, %sub3A_79 : vector<32x200xf32>
    %mul3A_84 = arith.mulf %sub3A_79, %sub3A_79 : vector<32x200xf32>
    %mul3A_85 = arith.mulf %mul3A_76, %mul3A_76 : vector<32x200xf32>
    %sub3A_86 = arith.subf %mul3A_84, %mul3A_85 : vector<32x200xf32>
    %mul3A_87 = arith.constant 2.000000e+00 : f32
    %mul3A_88 = vector.broadcast %mul3A_87 : f32 to vector<32x200xf32>
    %mul3A_89 = arith.mulf %mul3A_88, %mul3A_83 : vector<32x200xf32>
    %mul3A_90 = arith.mulf %mul3A_89, %sub3A_86 : vector<32x200xf32>
    %mul3A_91 = arith.mulf %sub3A_86, %sub3A_86 : vector<32x200xf32>
    %mul3A_92 = arith.mulf %mul3A_83, %mul3A_83 : vector<32x200xf32>
    %sub3A_93 = arith.subf %mul3A_91, %mul3A_92 : vector<32x200xf32>
    %mul3A_94 = arith.constant 2.000000e+00 : f32
    %mul3A_95 = vector.broadcast %mul3A_94 : f32 to vector<32x200xf32>
    %mul3A_96 = arith.mulf %mul3A_95, %mul3A_90 : vector<32x200xf32>
    %mul3A_97 = arith.mulf %mul3A_96, %sub3A_93 : vector<32x200xf32>
    %mul3A_98 = arith.mulf %sub3A_93, %sub3A_93 : vector<32x200xf32>
    %mul3A_99 = arith.mulf %mul3A_90, %mul3A_90 : vector<32x200xf32>
    %sub3A_100 = arith.subf %mul3A_98, %mul3A_99 : vector<32x200xf32>
    %mul3A_101 = arith.constant 2.000000e+00 : f32
    %mul3A_102 = vector.broadcast %mul3A_101 : f32 to vector<32x200xf32>
    %mul3A_103 = arith.mulf %mul3A_102, %mul3A_97 : vector<32x200xf32>
    %mul3A_104 = arith.mulf %mul3A_103, %sub3A_100 : vector<32x200xf32>
    %mul3A_105 = arith.mulf %sub3A_100, %sub3A_100 : vector<32x200xf32>
    %mul3A_106 = arith.mulf %mul3A_97, %mul3A_97 : vector<32x200xf32>
    %sub3A_107 = arith.subf %mul3A_105, %mul3A_106 : vector<32x200xf32>
    %mul3A_108 = arith.constant 6.553600e+04 : f32
    %mul3A_109 = vector.broadcast %mul3A_108 : f32 to vector<32x200xf32>
    %mul3A_110 = arith.mulf %mul3A_3, %mul3A_109 : vector<32x200xf32>
    %sin3A_111 = math.sin %mul3A_110 : vector<32x200xf32>
    %cos3A_112 = math.cos %mul3A_110 : vector<32x200xf32>
    %mul3A_113 = arith.constant 2.000000e+00 : f32
    %mul3A_114 = vector.broadcast %mul3A_113 : f32 to vector<32x200xf32>
    %mul3A_115 = arith.mulf %mul3A_114, %sin3A_111 : vector<32x200xf32>
    %mul3A_116 = arith.mulf %mul3A_115, %cos3A_112 : vector<32x200xf32>
    %mul3A_117 = arith.mulf %cos3A_112, %cos3A_112 : vector<32x200xf32>
    %mul3A_118 = arith.mulf %sin3A_111, %sin3A_111 : vector<32x200xf32>
    %sub3A_119 = arith.subf %mul3A_117, %mul3A_118 : vector<32x200xf32>
    %mul3A_120 = arith.constant 2.000000e+00 : f32
    %mul3A_121 = vector.broadcast %mul3A_120 : f32 to vector<32x200xf32>
    %mul3A_122 = arith.mulf %mul3A_121, %mul3A_116 : vector<32x200xf32>
    %mul3A_123 = arith.mulf %mul3A_122, %sub3A_119 : vector<32x200xf32>
    %mul3A_124 = arith.mulf %sub3A_119, %sub3A_119 : vector<32x200xf32>
    %mul3A_125 = arith.mulf %mul3A_116, %mul3A_116 : vector<32x200xf32>
    %sub3A_126 = arith.subf %mul3A_124, %mul3A_125 : vector<32x200xf32>
    %mul3A_127 = arith.constant 2.000000e+00 : f32
    %mul3A_128 = vector.broadcast %mul3A_127 : f32 to vector<32x200xf32>
    %mul3A_129 = arith.mulf %mul3A_128, %mul3A_123 : vector<32x200xf32>
    %mul3A_130 = arith.mulf %mul3A_129, %sub3A_126 : vector<32x200xf32>
    %mul3A_131 = arith.mulf %sub3A_126, %sub3A_126 : vector<32x200xf32>
    %mul3A_132 = arith.mulf %mul3A_123, %mul3A_123 : vector<32x200xf32>
    %sub3A_133 = arith.subf %mul3A_131, %mul3A_132 : vector<32x200xf32>
    %mul3A_134 = arith.constant 2.000000e+00 : f32
    %mul3A_135 = vector.broadcast %mul3A_134 : f32 to vector<32x200xf32>
    %mul3A_136 = arith.mulf %mul3A_135, %mul3A_130 : vector<32x200xf32>
    %mul3A_137 = arith.mulf %mul3A_136, %sub3A_133 : vector<32x200xf32>
    %mul3A_138 = arith.mulf %sub3A_133, %sub3A_133 : vector<32x200xf32>
    %mul3A_139 = arith.mulf %mul3A_130, %mul3A_130 : vector<32x200xf32>
    %sub3A_140 = arith.subf %mul3A_138, %mul3A_139 : vector<32x200xf32>
    %mul3A_141 = arith.constant 2.000000e+00 : f32
    %mul3A_142 = vector.broadcast %mul3A_141 : f32 to vector<32x200xf32>
    %mul3A_143 = arith.mulf %mul3A_142, %mul3A_137 : vector<32x200xf32>
    %mul3A_144 = arith.mulf %mul3A_143, %sub3A_140 : vector<32x200xf32>
    %mul3A_145 = arith.mulf %sub3A_140, %sub3A_140 : vector<32x200xf32>
    %mul3A_146 = arith.mulf %mul3A_137, %mul3A_137 : vector<32x200xf32>
    %sub3A_147 = arith.subf %mul3A_145, %mul3A_146 : vector<32x200xf32>
    %mul3A_148 = arith.constant 2.000000e+00 : f32
    %mul3A_149 = vector.broadcast %mul3A_148 : f32 to vector<32x200xf32>
    %mul3A_150 = arith.mulf %mul3A_149, %mul3A_144 : vector<32x200xf32>
    %mul3A_151 = arith.mulf %mul3A_150, %sub3A_147 : vector<32x200xf32>
    %mul3A_152 = arith.mulf %sub3A_147, %sub3A_147 : vector<32x200xf32>
    %mul3A_153 = arith.mulf %mul3A_144, %mul3A_144 : vector<32x200xf32>
    %sub3A_154 = arith.subf %mul3A_152, %mul3A_153 : vector<32x200xf32>
    %mul3A_155 = arith.constant 2.000000e+00 : f32
    %mul3A_156 = vector.broadcast %mul3A_155 : f32 to vector<32x200xf32>
    %mul3A_157 = arith.mulf %mul3A_156, %mul3A_151 : vector<32x200xf32>
    %mul3A_158 = arith.mulf %mul3A_157, %sub3A_154 : vector<32x200xf32>
    %mul3A_159 = arith.mulf %sub3A_154, %sub3A_154 : vector<32x200xf32>
    %mul3A_160 = arith.mulf %mul3A_151, %mul3A_151 : vector<32x200xf32>
    %sub3A_161 = arith.subf %mul3A_159, %mul3A_160 : vector<32x200xf32>
    %mul3A_162 = arith.constant 2.000000e+00 : f32
    %mul3A_163 = vector.broadcast %mul3A_162 : f32 to vector<32x200xf32>
    %mul3A_164 = arith.mulf %mul3A_163, %mul3A_158 : vector<32x200xf32>
    %mul3A_165 = arith.mulf %mul3A_164, %sub3A_161 : vector<32x200xf32>
    %mul3A_166 = arith.mulf %sub3A_161, %sub3A_161 : vector<32x200xf32>
    %mul3A_167 = arith.mulf %mul3A_158, %mul3A_158 : vector<32x200xf32>
    %sub3A_168 = arith.subf %mul3A_166, %mul3A_167 : vector<32x200xf32>
    %mul3A_169 = arith.constant 2.000000e+00 : f32
    %mul3A_170 = vector.broadcast %mul3A_169 : f32 to vector<32x200xf32>
    %mul3A_171 = arith.mulf %mul3A_170, %mul3A_165 : vector<32x200xf32>
    %mul3A_172 = arith.mulf %mul3A_171, %sub3A_168 : vector<32x200xf32>
    %mul3A_173 = arith.mulf %sub3A_168, %sub3A_168 : vector<32x200xf32>
    %mul3A_174 = arith.mulf %mul3A_165, %mul3A_165 : vector<32x200xf32>
    %sub3A_175 = arith.subf %mul3A_173, %mul3A_174 : vector<32x200xf32>
    %mul3A_176 = arith.constant 2.000000e+00 : f32
    %mul3A_177 = vector.broadcast %mul3A_176 : f32 to vector<32x200xf32>
    %mul3A_178 = arith.mulf %mul3A_177, %mul3A_172 : vector<32x200xf32>
    %mul3A_179 = arith.mulf %mul3A_178, %sub3A_175 : vector<32x200xf32>
    %mul3A_180 = arith.mulf %sub3A_175, %sub3A_175 : vector<32x200xf32>
    %mul3A_181 = arith.mulf %mul3A_172, %mul3A_172 : vector<32x200xf32>
    %sub3A_182 = arith.subf %mul3A_180, %mul3A_181 : vector<32x200xf32>
    %mul3A_183 = arith.constant 2.000000e+00 : f32
    %mul3A_184 = vector.broadcast %mul3A_183 : f32 to vector<32x200xf32>
    %mul3A_185 = arith.mulf %mul3A_184, %mul3A_179 : vector<32x200xf32>
    %mul3A_186 = arith.mulf %mul3A_185, %sub3A_182 : vector<32x200xf32>
    %mul3A_187 = arith.mulf %sub3A_182, %sub3A_182 : vector<32x200xf32>
    %mul3A_188 = arith.mulf %mul3A_179, %mul3A_179 : vector<32x200xf32>
    %sub3A_189 = arith.subf %mul3A_187, %mul3A_188 : vector<32x200xf32>
    %mul3A_190 = arith.constant 2.000000e+00 : f32
    %mul3A_191 = vector.broadcast %mul3A_190 : f32 to vector<32x200xf32>
    %mul3A_192 = arith.mulf %mul3A_191, %mul3A_186 : vector<32x200xf32>
    %mul3A_193 = arith.mulf %mul3A_192, %sub3A_189 : vector<32x200xf32>
    %mul3A_194 = arith.mulf %sub3A_189, %sub3A_189 : vector<32x200xf32>
    %mul3A_195 = arith.mulf %mul3A_186, %mul3A_186 : vector<32x200xf32>
    %sub3A_196 = arith.subf %mul3A_194, %mul3A_195 : vector<32x200xf32>
    %mul3A_197 = arith.constant 2.000000e+00 : f32
    %mul3A_198 = vector.broadcast %mul3A_197 : f32 to vector<32x200xf32>
    %mul3A_199 = arith.mulf %mul3A_198, %mul3A_193 : vector<32x200xf32>
    %mul3A_200 = arith.mulf %mul3A_199, %sub3A_196 : vector<32x200xf32>
    %mul3A_201 = arith.mulf %sub3A_196, %sub3A_196 : vector<32x200xf32>
    %mul3A_202 = arith.mulf %mul3A_193, %mul3A_193 : vector<32x200xf32>
    %sub3A_203 = arith.subf %mul3A_201, %mul3A_202 : vector<32x200xf32>
    %mul3A_204 = arith.constant 2.000000e+00 : f32
    %mul3A_205 = vector.broadcast %mul3A_204 : f32 to vector<32x200xf32>
    %mul3A_206 = arith.mulf %mul3A_205, %mul3A_200 : vector<32x200xf32>
    %mul3A_207 = arith.mulf %mul3A_206, %sub3A_203 : vector<32x200xf32>
    %mul3A_208 = arith.mulf %sub3A_203, %sub3A_203 : vector<32x200xf32>
    %mul3A_209 = arith.mulf %mul3A_200, %mul3A_200 : vector<32x200xf32>
    %sub3A_210 = arith.subf %mul3A_208, %mul3A_209 : vector<32x200xf32>
    %mul3A_211 = arith.constant 2.000000e+00 : f32
    %mul3A_212 = vector.broadcast %mul3A_211 : f32 to vector<32x200xf32>
    %mul3A_213 = arith.mulf %mul3A_212, %mul3A_207 : vector<32x200xf32>
    %mul3A_214 = arith.mulf %mul3A_213, %sub3A_210 : vector<32x200xf32>
    %mul3A_215 = arith.mulf %sub3A_210, %sub3A_210 : vector<32x200xf32>
    %mul3A_216 = arith.mulf %mul3A_207, %mul3A_207 : vector<32x200xf32>
    %sub3A_217 = arith.subf %mul3A_215, %mul3A_216 : vector<32x200xf32>
    %mul3A_218 = arith.constant 4.2949673E+9 : f32
    %mul3A_219 = vector.broadcast %mul3A_218 : f32 to vector<32x200xf32>
    %mul3A_220 = arith.mulf %mul3A_3, %mul3A_219 : vector<32x200xf32>
    %sin3A_221 = math.sin %mul3A_220 : vector<32x200xf32>
    %cos3A_222 = math.cos %mul3A_220 : vector<32x200xf32>
    %mul3A_223 = arith.constant 2.000000e+00 : f32
    %mul3A_224 = vector.broadcast %mul3A_223 : f32 to vector<32x200xf32>
    %mul3A_225 = arith.mulf %mul3A_224, %sin3A_221 : vector<32x200xf32>
    %mul3A_226 = arith.mulf %mul3A_225, %cos3A_222 : vector<32x200xf32>
    %mul3A_227 = arith.mulf %cos3A_222, %cos3A_222 : vector<32x200xf32>
    %mul3A_228 = arith.mulf %sin3A_221, %sin3A_221 : vector<32x200xf32>
    %sub3A_229 = arith.subf %mul3A_227, %mul3A_228 : vector<32x200xf32>
    %mul3A_230 = arith.constant 2.000000e+00 : f32
    %mul3A_231 = vector.broadcast %mul3A_230 : f32 to vector<32x200xf32>
    %mul3A_232 = arith.mulf %mul3A_231, %mul3A_226 : vector<32x200xf32>
    %mul3A_233 = arith.mulf %mul3A_232, %sub3A_229 : vector<32x200xf32>
    %mul3A_234 = arith.mulf %sub3A_229, %sub3A_229 : vector<32x200xf32>
    %mul3A_235 = arith.mulf %mul3A_226, %mul3A_226 : vector<32x200xf32>
    %sub3A_236 = arith.subf %mul3A_234, %mul3A_235 : vector<32x200xf32>
    %mul3A_237 = arith.constant 2.000000e+00 : f32
    %mul3A_238 = vector.broadcast %mul3A_237 : f32 to vector<32x200xf32>
    %mul3A_239 = arith.mulf %mul3A_238, %mul3A_233 : vector<32x200xf32>
    %mul3A_240 = arith.mulf %mul3A_239, %sub3A_236 : vector<32x200xf32>
    %mul3A_241 = arith.mulf %sub3A_236, %sub3A_236 : vector<32x200xf32>
    %mul3A_242 = arith.mulf %mul3A_233, %mul3A_233 : vector<32x200xf32>
    %sub3A_243 = arith.subf %mul3A_241, %mul3A_242 : vector<32x200xf32>
    %mul3A_244 = arith.constant 2.000000e+00 : f32
    %mul3A_245 = vector.broadcast %mul3A_244 : f32 to vector<32x200xf32>
    %mul3A_246 = arith.mulf %mul3A_245, %mul3A_240 : vector<32x200xf32>
    %mul3A_247 = arith.mulf %mul3A_246, %sub3A_243 : vector<32x200xf32>
    %mul3A_248 = arith.mulf %sub3A_243, %sub3A_243 : vector<32x200xf32>
    %mul3A_249 = arith.mulf %mul3A_240, %mul3A_240 : vector<32x200xf32>
    %sub3A_250 = arith.subf %mul3A_248, %mul3A_249 : vector<32x200xf32>
    %mul3A_251 = arith.constant 2.000000e+00 : f32
    %mul3A_252 = vector.broadcast %mul3A_251 : f32 to vector<32x200xf32>
    %mul3A_253 = arith.mulf %mul3A_252, %mul3A_247 : vector<32x200xf32>
    %mul3A_254 = arith.mulf %mul3A_253, %sub3A_250 : vector<32x200xf32>
    %mul3A_255 = arith.mulf %sub3A_250, %sub3A_250 : vector<32x200xf32>
    %mul3A_256 = arith.mulf %mul3A_247, %mul3A_247 : vector<32x200xf32>
    %sub3A_257 = arith.subf %mul3A_255, %mul3A_256 : vector<32x200xf32>
    %mul3A_258 = arith.constant 2.000000e+00 : f32
    %mul3A_259 = vector.broadcast %mul3A_258 : f32 to vector<32x200xf32>
    %mul3A_260 = arith.mulf %mul3A_259, %mul3A_254 : vector<32x200xf32>
    %mul3A_261 = arith.mulf %mul3A_260, %sub3A_257 : vector<32x200xf32>
    %mul3A_262 = arith.mulf %sub3A_257, %sub3A_257 : vector<32x200xf32>
    %mul3A_263 = arith.mulf %mul3A_254, %mul3A_254 : vector<32x200xf32>
    %sub3A_264 = arith.subf %mul3A_262, %mul3A_263 : vector<32x200xf32>
    %mul3A_265 = arith.constant 2.000000e+00 : f32
    %mul3A_266 = vector.broadcast %mul3A_265 : f32 to vector<32x200xf32>
    %mul3A_267 = arith.mulf %mul3A_266, %mul3A_261 : vector<32x200xf32>
    %mul3A_268 = arith.mulf %mul3A_267, %sub3A_264 : vector<32x200xf32>
    %mul3A_269 = arith.mulf %sub3A_264, %sub3A_264 : vector<32x200xf32>
    %mul3A_270 = arith.mulf %mul3A_261, %mul3A_261 : vector<32x200xf32>
    %sub3A_271 = arith.subf %mul3A_269, %mul3A_270 : vector<32x200xf32>
    %mul3A_272 = arith.constant 2.000000e+00 : f32
    %mul3A_273 = vector.broadcast %mul3A_272 : f32 to vector<32x200xf32>
    %mul3A_274 = arith.mulf %mul3A_273, %mul3A_268 : vector<32x200xf32>
    %mul3A_275 = arith.mulf %mul3A_274, %sub3A_271 : vector<32x200xf32>
    %mul3A_276 = arith.mulf %sub3A_271, %sub3A_271 : vector<32x200xf32>
    %mul3A_277 = arith.mulf %mul3A_268, %mul3A_268 : vector<32x200xf32>
    %sub3A_278 = arith.subf %mul3A_276, %mul3A_277 : vector<32x200xf32>
    %mul3A_279 = arith.constant 2.000000e+00 : f32
    %mul3A_280 = vector.broadcast %mul3A_279 : f32 to vector<32x200xf32>
    %mul3A_281 = arith.mulf %mul3A_280, %mul3A_275 : vector<32x200xf32>
    %mul3A_282 = arith.mulf %mul3A_281, %sub3A_278 : vector<32x200xf32>
    %mul3A_283 = arith.mulf %sub3A_278, %sub3A_278 : vector<32x200xf32>
    %mul3A_284 = arith.mulf %mul3A_275, %mul3A_275 : vector<32x200xf32>
    %sub3A_285 = arith.subf %mul3A_283, %mul3A_284 : vector<32x200xf32>
    %mul3A_286 = arith.constant 2.000000e+00 : f32
    %mul3A_287 = vector.broadcast %mul3A_286 : f32 to vector<32x200xf32>
    %mul3A_288 = arith.mulf %mul3A_287, %mul3A_282 : vector<32x200xf32>
    %mul3A_289 = arith.mulf %mul3A_288, %sub3A_285 : vector<32x200xf32>
    %mul3A_290 = arith.mulf %sub3A_285, %sub3A_285 : vector<32x200xf32>
    %mul3A_291 = arith.mulf %mul3A_282, %mul3A_282 : vector<32x200xf32>
    %sub3A_292 = arith.subf %mul3A_290, %mul3A_291 : vector<32x200xf32>
    %mul3A_293 = arith.constant 2.000000e+00 : f32
    %mul3A_294 = vector.broadcast %mul3A_293 : f32 to vector<32x200xf32>
    %mul3A_295 = arith.mulf %mul3A_294, %mul3A_289 : vector<32x200xf32>
    %mul3A_296 = arith.mulf %mul3A_295, %sub3A_292 : vector<32x200xf32>
    %mul3A_297 = arith.mulf %sub3A_292, %sub3A_292 : vector<32x200xf32>
    %mul3A_298 = arith.mulf %mul3A_289, %mul3A_289 : vector<32x200xf32>
    %sub3A_299 = arith.subf %mul3A_297, %mul3A_298 : vector<32x200xf32>
    %mul3A_300 = arith.constant 2.000000e+00 : f32
    %mul3A_301 = vector.broadcast %mul3A_300 : f32 to vector<32x200xf32>
    %mul3A_302 = arith.mulf %mul3A_301, %mul3A_296 : vector<32x200xf32>
    %mul3A_303 = arith.mulf %mul3A_302, %sub3A_299 : vector<32x200xf32>
    %mul3A_304 = arith.mulf %sub3A_299, %sub3A_299 : vector<32x200xf32>
    %mul3A_305 = arith.mulf %mul3A_296, %mul3A_296 : vector<32x200xf32>
    %sub3A_306 = arith.subf %mul3A_304, %mul3A_305 : vector<32x200xf32>
    %mul3A_307 = arith.constant 2.000000e+00 : f32
    %mul3A_308 = vector.broadcast %mul3A_307 : f32 to vector<32x200xf32>
    %mul3A_309 = arith.mulf %mul3A_308, %mul3A_303 : vector<32x200xf32>
    %mul3A_310 = arith.mulf %mul3A_309, %sub3A_306 : vector<32x200xf32>
    %mul3A_311 = arith.mulf %sub3A_306, %sub3A_306 : vector<32x200xf32>
    %mul3A_312 = arith.mulf %mul3A_303, %mul3A_303 : vector<32x200xf32>
    %sub3A_313 = arith.subf %mul3A_311, %mul3A_312 : vector<32x200xf32>
    %mul3A_314 = arith.constant 2.000000e+00 : f32
    %mul3A_315 = vector.broadcast %mul3A_314 : f32 to vector<32x200xf32>
    %mul3A_316 = arith.mulf %mul3A_315, %mul3A_310 : vector<32x200xf32>
    %mul3A_317 = arith.mulf %mul3A_316, %sub3A_313 : vector<32x200xf32>
    %mul3A_318 = arith.mulf %sub3A_313, %sub3A_313 : vector<32x200xf32>
    %mul3A_319 = arith.mulf %mul3A_310, %mul3A_310 : vector<32x200xf32>
    %sub3A_320 = arith.subf %mul3A_318, %mul3A_319 : vector<32x200xf32>
    %mul3A_321 = arith.constant 2.000000e+00 : f32
    %mul3A_322 = vector.broadcast %mul3A_321 : f32 to vector<32x200xf32>
    %mul3A_323 = arith.mulf %mul3A_322, %mul3A_317 : vector<32x200xf32>
    %mul3A_324 = arith.mulf %mul3A_323, %sub3A_320 : vector<32x200xf32>
    %mul3A_325 = arith.mulf %sub3A_320, %sub3A_320 : vector<32x200xf32>
    %mul3A_326 = arith.mulf %mul3A_317, %mul3A_317 : vector<32x200xf32>
    %sub3A_327 = arith.subf %mul3A_325, %mul3A_326 : vector<32x200xf32>
    %mul3A_328 = arith.constant 2.81474977E+14 : f32
    %mul3A_329 = vector.broadcast %mul3A_328 : f32 to vector<32x200xf32>
    %mul3A_330 = arith.mulf %mul3A_3, %mul3A_329 : vector<32x200xf32>
    %sin3A_331 = math.sin %mul3A_330 : vector<32x200xf32>
    %cos3A_332 = math.cos %mul3A_330 : vector<32x200xf32>
    %mul3A_333 = arith.constant 2.000000e+00 : f32
    %mul3A_334 = vector.broadcast %mul3A_333 : f32 to vector<32x200xf32>
    %mul3A_335 = arith.mulf %mul3A_334, %sin3A_331 : vector<32x200xf32>
    %mul3A_336 = arith.mulf %mul3A_335, %cos3A_332 : vector<32x200xf32>
    %mul3A_337 = arith.mulf %cos3A_332, %cos3A_332 : vector<32x200xf32>
    %mul3A_338 = arith.mulf %sin3A_331, %sin3A_331 : vector<32x200xf32>
    %sub3A_339 = arith.subf %mul3A_337, %mul3A_338 : vector<32x200xf32>
    %mul3A_340 = arith.constant 2.000000e+00 : f32
    %mul3A_341 = vector.broadcast %mul3A_340 : f32 to vector<32x200xf32>
    %mul3A_342 = arith.mulf %mul3A_341, %mul3A_336 : vector<32x200xf32>
    %mul3A_343 = arith.mulf %mul3A_342, %sub3A_339 : vector<32x200xf32>
    %mul3A_344 = arith.mulf %sub3A_339, %sub3A_339 : vector<32x200xf32>
    %mul3A_345 = arith.mulf %mul3A_336, %mul3A_336 : vector<32x200xf32>
    %sub3A_346 = arith.subf %mul3A_344, %mul3A_345 : vector<32x200xf32>
    %mul3A_347 = arith.constant 2.000000e+00 : f32
    %mul3A_348 = vector.broadcast %mul3A_347 : f32 to vector<32x200xf32>
    %mul3A_349 = arith.mulf %mul3A_348, %mul3A_343 : vector<32x200xf32>
    %mul3A_350 = arith.mulf %mul3A_349, %sub3A_346 : vector<32x200xf32>
    %mul3A_351 = arith.mulf %sub3A_346, %sub3A_346 : vector<32x200xf32>
    %mul3A_352 = arith.mulf %mul3A_343, %mul3A_343 : vector<32x200xf32>
    %sub3A_353 = arith.subf %mul3A_351, %mul3A_352 : vector<32x200xf32>
    %mul3A_354 = arith.constant 2.000000e+00 : f32
    %mul3A_355 = vector.broadcast %mul3A_354 : f32 to vector<32x200xf32>
    %mul3A_356 = arith.mulf %mul3A_355, %mul3A_350 : vector<32x200xf32>
    %mul3A_357 = arith.mulf %mul3A_356, %sub3A_353 : vector<32x200xf32>
    %mul3A_358 = arith.mulf %sub3A_353, %sub3A_353 : vector<32x200xf32>
    %mul3A_359 = arith.mulf %mul3A_350, %mul3A_350 : vector<32x200xf32>
    %sub3A_360 = arith.subf %mul3A_358, %mul3A_359 : vector<32x200xf32>
    %mul3A_361 = arith.constant 2.000000e+00 : f32
    %mul3A_362 = vector.broadcast %mul3A_361 : f32 to vector<32x200xf32>
    %mul3A_363 = arith.mulf %mul3A_362, %mul3A_357 : vector<32x200xf32>
    %mul3A_364 = arith.mulf %mul3A_363, %sub3A_360 : vector<32x200xf32>
    %mul3A_365 = arith.mulf %sub3A_360, %sub3A_360 : vector<32x200xf32>
    %mul3A_366 = arith.mulf %mul3A_357, %mul3A_357 : vector<32x200xf32>
    %sub3A_367 = arith.subf %mul3A_365, %mul3A_366 : vector<32x200xf32>
    %mul3A_368 = arith.constant 2.000000e+00 : f32
    %mul3A_369 = vector.broadcast %mul3A_368 : f32 to vector<32x200xf32>
    %mul3A_370 = arith.mulf %mul3A_369, %mul3A_364 : vector<32x200xf32>
    %mul3A_371 = arith.mulf %mul3A_370, %sub3A_367 : vector<32x200xf32>
    %mul3A_372 = arith.mulf %sub3A_367, %sub3A_367 : vector<32x200xf32>
    %mul3A_373 = arith.mulf %mul3A_364, %mul3A_364 : vector<32x200xf32>
    %sub3A_374 = arith.subf %mul3A_372, %mul3A_373 : vector<32x200xf32>
    %mul3A_375 = arith.constant 2.000000e+00 : f32
    %mul3A_376 = vector.broadcast %mul3A_375 : f32 to vector<32x200xf32>
    %mul3A_377 = arith.mulf %mul3A_376, %mul3A_371 : vector<32x200xf32>
    %mul3A_378 = arith.mulf %mul3A_377, %sub3A_374 : vector<32x200xf32>
    %mul3A_379 = arith.mulf %sub3A_374, %sub3A_374 : vector<32x200xf32>
    %mul3A_380 = arith.mulf %mul3A_371, %mul3A_371 : vector<32x200xf32>
    %sub3A_381 = arith.subf %mul3A_379, %mul3A_380 : vector<32x200xf32>
    %mul3A_382 = arith.constant 2.000000e+00 : f32
    %mul3A_383 = vector.broadcast %mul3A_382 : f32 to vector<32x200xf32>
    %mul3A_384 = arith.mulf %mul3A_383, %mul3A_378 : vector<32x200xf32>
    %mul3A_385 = arith.mulf %mul3A_384, %sub3A_381 : vector<32x200xf32>
    %mul3A_386 = arith.mulf %sub3A_381, %sub3A_381 : vector<32x200xf32>
    %mul3A_387 = arith.mulf %mul3A_378, %mul3A_378 : vector<32x200xf32>
    %sub3A_388 = arith.subf %mul3A_386, %mul3A_387 : vector<32x200xf32>
    %mul3A_389 = arith.constant 2.000000e+00 : f32
    %mul3A_390 = vector.broadcast %mul3A_389 : f32 to vector<32x200xf32>
    %mul3A_391 = arith.mulf %mul3A_390, %mul3A_385 : vector<32x200xf32>
    %mul3A_392 = arith.mulf %mul3A_391, %sub3A_388 : vector<32x200xf32>
    %mul3A_393 = arith.mulf %sub3A_388, %sub3A_388 : vector<32x200xf32>
    %mul3A_394 = arith.mulf %mul3A_385, %mul3A_385 : vector<32x200xf32>
    %sub3A_395 = arith.subf %mul3A_393, %mul3A_394 : vector<32x200xf32>
    %mul3A_396 = arith.constant 2.000000e+00 : f32
    %mul3A_397 = vector.broadcast %mul3A_396 : f32 to vector<32x200xf32>
    %mul3A_398 = arith.mulf %mul3A_397, %mul3A_392 : vector<32x200xf32>
    %mul3A_399 = arith.mulf %mul3A_398, %sub3A_395 : vector<32x200xf32>
    %mul3A_400 = arith.mulf %sub3A_395, %sub3A_395 : vector<32x200xf32>
    %mul3A_401 = arith.mulf %mul3A_392, %mul3A_392 : vector<32x200xf32>
    %sub3A_402 = arith.subf %mul3A_400, %mul3A_401 : vector<32x200xf32>
    %mul3A_403 = arith.constant 2.000000e+00 : f32
    %mul3A_404 = vector.broadcast %mul3A_403 : f32 to vector<32x200xf32>
    %mul3A_405 = arith.mulf %mul3A_404, %mul3A_399 : vector<32x200xf32>
    %mul3A_406 = arith.mulf %mul3A_405, %sub3A_402 : vector<32x200xf32>
    %mul3A_407 = arith.mulf %sub3A_402, %sub3A_402 : vector<32x200xf32>
    %mul3A_408 = arith.mulf %mul3A_399, %mul3A_399 : vector<32x200xf32>
    %sub3A_409 = arith.subf %mul3A_407, %mul3A_408 : vector<32x200xf32>
    %mul3A_410 = arith.constant 2.000000e+00 : f32
    %mul3A_411 = vector.broadcast %mul3A_410 : f32 to vector<32x200xf32>
    %mul3A_412 = arith.mulf %mul3A_411, %mul3A_406 : vector<32x200xf32>
    %mul3A_413 = arith.mulf %mul3A_412, %sub3A_409 : vector<32x200xf32>
    %mul3A_414 = arith.mulf %sub3A_409, %sub3A_409 : vector<32x200xf32>
    %mul3A_415 = arith.mulf %mul3A_406, %mul3A_406 : vector<32x200xf32>
    %sub3A_416 = arith.subf %mul3A_414, %mul3A_415 : vector<32x200xf32>
    %mul3A_417 = arith.constant 2.000000e+00 : f32
    %mul3A_418 = vector.broadcast %mul3A_417 : f32 to vector<32x200xf32>
    %mul3A_419 = arith.mulf %mul3A_418, %mul3A_413 : vector<32x200xf32>
    %mul3A_420 = arith.mulf %mul3A_419, %sub3A_416 : vector<32x200xf32>
    %mul3A_421 = arith.mulf %sub3A_416, %sub3A_416 : vector<32x200xf32>
    %mul3A_422 = arith.mulf %mul3A_413, %mul3A_413 : vector<32x200xf32>
    %sub3A_423 = arith.subf %mul3A_421, %mul3A_422 : vector<32x200xf32>
    %mul3A_424 = arith.constant 2.000000e+00 : f32
    %mul3A_425 = vector.broadcast %mul3A_424 : f32 to vector<32x200xf32>
    %mul3A_426 = arith.mulf %mul3A_425, %mul3A_420 : vector<32x200xf32>
    %mul3A_427 = arith.mulf %mul3A_426, %sub3A_423 : vector<32x200xf32>
    %mul3A_428 = arith.mulf %sub3A_423, %sub3A_423 : vector<32x200xf32>
    %mul3A_429 = arith.mulf %mul3A_420, %mul3A_420 : vector<32x200xf32>
    %sub3A_430 = arith.subf %mul3A_428, %mul3A_429 : vector<32x200xf32>
    %mul3A_431 = arith.constant 2.000000e+00 : f32
    %mul3A_432 = vector.broadcast %mul3A_431 : f32 to vector<32x200xf32>
    %mul3A_433 = arith.mulf %mul3A_432, %mul3A_427 : vector<32x200xf32>
    %mul3A_434 = arith.mulf %mul3A_433, %sub3A_430 : vector<32x200xf32>
    %mul3A_435 = arith.mulf %sub3A_430, %sub3A_430 : vector<32x200xf32>
    %mul3A_436 = arith.mulf %mul3A_427, %mul3A_427 : vector<32x200xf32>
    %sub3A_437 = arith.subf %mul3A_435, %mul3A_436 : vector<32x200xf32>
    %stack3A = vector.shape_cast %sin3A : vector<32x200xf32> to vector<1x32x200xf32>
    %stack3A_438 = vector.shape_cast %mul3A_7 : vector<32x200xf32> to vector<1x32x200xf32>
    %stack3A_439 = vector.shape_cast %mul3A_13 : vector<32x200xf32> to vector<1x32x200xf32>
    %stack3A_440 = vector.shape_cast %mul3A_20 : vector<32x200xf32> to vector<1x32x200xf32>
    %stack3A_441 = vector.shape_cast %mul3A_27 : vector<32x200xf32> to vector<1x32x200xf32>
    %stack3A_442 = vector.shape_cast %mul3A_34 : vector<32x200xf32> to vector<1x32x200xf32>
    %stack3A_443 = vector.shape_cast %mul3A_41 : vector<32x200xf32> to vector<1x32x200xf32>
    %stack3A_444 = vector.shape_cast %mul3A_48 : vector<32x200xf32> to vector<1x32x200xf32>
    %stack3A_445 = vector.shape_cast %mul3A_55 : vector<32x200xf32> to vector<1x32x200xf32>
    %stack3A_446 = vector.shape_cast %mul3A_62 : vector<32x200xf32> to vector<1x32x200xf32>
    %stack3A_447 = vector.shape_cast %mul3A_69 : vector<32x200xf32> to vector<1x32x200xf32>
    %stack3A_448 = vector.shape_cast %mul3A_76 : vector<32x200xf32> to vector<1x32x200xf32>
    %stack3A_449 = vector.shape_cast %mul3A_83 : vector<32x200xf32> to vector<1x32x200xf32>
    %stack3A_450 = vector.shape_cast %mul3A_90 : vector<32x200xf32> to vector<1x32x200xf32>
    %stack3A_451 = vector.shape_cast %mul3A_97 : vector<32x200xf32> to vector<1x32x200xf32>
    %stack3A_452 = vector.shape_cast %mul3A_104 : vector<32x200xf32> to vector<1x32x200xf32>
    %stack3A_453 = vector.shape_cast %sin3A_111 : vector<32x200xf32> to vector<1x32x200xf32>
    %stack3A_454 = vector.shape_cast %mul3A_116 : vector<32x200xf32> to vector<1x32x200xf32>
    %stack3A_455 = vector.shape_cast %mul3A_123 : vector<32x200xf32> to vector<1x32x200xf32>
    %stack3A_456 = vector.shape_cast %mul3A_130 : vector<32x200xf32> to vector<1x32x200xf32>
    %stack3A_457 = vector.shape_cast %mul3A_137 : vector<32x200xf32> to vector<1x32x200xf32>
    %stack3A_458 = vector.shape_cast %mul3A_144 : vector<32x200xf32> to vector<1x32x200xf32>
    %stack3A_459 = vector.shape_cast %mul3A_151 : vector<32x200xf32> to vector<1x32x200xf32>
    %stack3A_460 = vector.shape_cast %mul3A_158 : vector<32x200xf32> to vector<1x32x200xf32>
    %stack3A_461 = vector.shape_cast %mul3A_165 : vector<32x200xf32> to vector<1x32x200xf32>
    %stack3A_462 = vector.shape_cast %mul3A_172 : vector<32x200xf32> to vector<1x32x200xf32>
    %stack3A_463 = vector.shape_cast %mul3A_179 : vector<32x200xf32> to vector<1x32x200xf32>
    %stack3A_464 = vector.shape_cast %mul3A_186 : vector<32x200xf32> to vector<1x32x200xf32>
    %stack3A_465 = vector.shape_cast %mul3A_193 : vector<32x200xf32> to vector<1x32x200xf32>
    %stack3A_466 = vector.shape_cast %mul3A_200 : vector<32x200xf32> to vector<1x32x200xf32>
    %stack3A_467 = vector.shape_cast %mul3A_207 : vector<32x200xf32> to vector<1x32x200xf32>
    %stack3A_468 = vector.shape_cast %mul3A_214 : vector<32x200xf32> to vector<1x32x200xf32>
    %stack3A_469 = vector.shape_cast %sin3A_221 : vector<32x200xf32> to vector<1x32x200xf32>
    %stack3A_470 = vector.shape_cast %mul3A_226 : vector<32x200xf32> to vector<1x32x200xf32>
    %stack3A_471 = vector.shape_cast %mul3A_233 : vector<32x200xf32> to vector<1x32x200xf32>
    %stack3A_472 = vector.shape_cast %mul3A_240 : vector<32x200xf32> to vector<1x32x200xf32>
    %stack3A_473 = vector.shape_cast %mul3A_247 : vector<32x200xf32> to vector<1x32x200xf32>
    %stack3A_474 = vector.shape_cast %mul3A_254 : vector<32x200xf32> to vector<1x32x200xf32>
    %stack3A_475 = vector.shape_cast %mul3A_261 : vector<32x200xf32> to vector<1x32x200xf32>
    %stack3A_476 = vector.shape_cast %mul3A_268 : vector<32x200xf32> to vector<1x32x200xf32>
    %stack3A_477 = vector.shape_cast %mul3A_275 : vector<32x200xf32> to vector<1x32x200xf32>
    %stack3A_478 = vector.shape_cast %mul3A_282 : vector<32x200xf32> to vector<1x32x200xf32>
    %stack3A_479 = vector.shape_cast %mul3A_289 : vector<32x200xf32> to vector<1x32x200xf32>
    %stack3A_480 = vector.shape_cast %mul3A_296 : vector<32x200xf32> to vector<1x32x200xf32>
    %stack3A_481 = vector.shape_cast %mul3A_303 : vector<32x200xf32> to vector<1x32x200xf32>
    %stack3A_482 = vector.shape_cast %mul3A_310 : vector<32x200xf32> to vector<1x32x200xf32>
    %stack3A_483 = vector.shape_cast %mul3A_317 : vector<32x200xf32> to vector<1x32x200xf32>
    %stack3A_484 = vector.shape_cast %mul3A_324 : vector<32x200xf32> to vector<1x32x200xf32>
    %stack3A_485 = vector.shape_cast %sin3A_331 : vector<32x200xf32> to vector<1x32x200xf32>
    %stack3A_486 = vector.shape_cast %mul3A_336 : vector<32x200xf32> to vector<1x32x200xf32>
    %stack3A_487 = vector.shape_cast %mul3A_343 : vector<32x200xf32> to vector<1x32x200xf32>
    %stack3A_488 = vector.shape_cast %mul3A_350 : vector<32x200xf32> to vector<1x32x200xf32>
    %stack3A_489 = vector.shape_cast %mul3A_357 : vector<32x200xf32> to vector<1x32x200xf32>
    %stack3A_490 = vector.shape_cast %mul3A_364 : vector<32x200xf32> to vector<1x32x200xf32>
    %stack3A_491 = vector.shape_cast %mul3A_371 : vector<32x200xf32> to vector<1x32x200xf32>
    %stack3A_492 = vector.shape_cast %mul3A_378 : vector<32x200xf32> to vector<1x32x200xf32>
    %stack3A_493 = vector.shape_cast %mul3A_385 : vector<32x200xf32> to vector<1x32x200xf32>
    %stack3A_494 = vector.shape_cast %mul3A_392 : vector<32x200xf32> to vector<1x32x200xf32>
    %stack3A_495 = vector.shape_cast %mul3A_399 : vector<32x200xf32> to vector<1x32x200xf32>
    %stack3A_496 = vector.shape_cast %mul3A_406 : vector<32x200xf32> to vector<1x32x200xf32>
    %stack3A_497 = vector.shape_cast %mul3A_413 : vector<32x200xf32> to vector<1x32x200xf32>
    %stack3A_498 = vector.shape_cast %mul3A_420 : vector<32x200xf32> to vector<1x32x200xf32>
    %stack3A_499 = vector.shape_cast %mul3A_427 : vector<32x200xf32> to vector<1x32x200xf32>
    %stack3A_500 = vector.shape_cast %mul3A_434 : vector<32x200xf32> to vector<1x32x200xf32>
    %stack3A_501 = vector.shape_cast %cos3A : vector<32x200xf32> to vector<1x32x200xf32>
    %stack3A_502 = vector.shape_cast %sub3A : vector<32x200xf32> to vector<1x32x200xf32>
    %stack3A_503 = vector.shape_cast %sub3A_16 : vector<32x200xf32> to vector<1x32x200xf32>
    %stack3A_504 = vector.shape_cast %sub3A_23 : vector<32x200xf32> to vector<1x32x200xf32>
    %stack3A_505 = vector.shape_cast %sub3A_30 : vector<32x200xf32> to vector<1x32x200xf32>
    %stack3A_506 = vector.shape_cast %sub3A_37 : vector<32x200xf32> to vector<1x32x200xf32>
    %stack3A_507 = vector.shape_cast %sub3A_44 : vector<32x200xf32> to vector<1x32x200xf32>
    %stack3A_508 = vector.shape_cast %sub3A_51 : vector<32x200xf32> to vector<1x32x200xf32>
    %stack3A_509 = vector.shape_cast %sub3A_58 : vector<32x200xf32> to vector<1x32x200xf32>
    %stack3A_510 = vector.shape_cast %sub3A_65 : vector<32x200xf32> to vector<1x32x200xf32>
    %stack3A_511 = vector.shape_cast %sub3A_72 : vector<32x200xf32> to vector<1x32x200xf32>
    %stack3A_512 = vector.shape_cast %sub3A_79 : vector<32x200xf32> to vector<1x32x200xf32>
    %stack3A_513 = vector.shape_cast %sub3A_86 : vector<32x200xf32> to vector<1x32x200xf32>
    %stack3A_514 = vector.shape_cast %sub3A_93 : vector<32x200xf32> to vector<1x32x200xf32>
    %stack3A_515 = vector.shape_cast %sub3A_100 : vector<32x200xf32> to vector<1x32x200xf32>
    %stack3A_516 = vector.shape_cast %sub3A_107 : vector<32x200xf32> to vector<1x32x200xf32>
    %stack3A_517 = vector.shape_cast %cos3A_112 : vector<32x200xf32> to vector<1x32x200xf32>
    %stack3A_518 = vector.shape_cast %sub3A_119 : vector<32x200xf32> to vector<1x32x200xf32>
    %stack3A_519 = vector.shape_cast %sub3A_126 : vector<32x200xf32> to vector<1x32x200xf32>
    %stack3A_520 = vector.shape_cast %sub3A_133 : vector<32x200xf32> to vector<1x32x200xf32>
    %stack3A_521 = vector.shape_cast %sub3A_140 : vector<32x200xf32> to vector<1x32x200xf32>
    %stack3A_522 = vector.shape_cast %sub3A_147 : vector<32x200xf32> to vector<1x32x200xf32>
    %stack3A_523 = vector.shape_cast %sub3A_154 : vector<32x200xf32> to vector<1x32x200xf32>
    %stack3A_524 = vector.shape_cast %sub3A_161 : vector<32x200xf32> to vector<1x32x200xf32>
    %stack3A_525 = vector.shape_cast %sub3A_168 : vector<32x200xf32> to vector<1x32x200xf32>
    %stack3A_526 = vector.shape_cast %sub3A_175 : vector<32x200xf32> to vector<1x32x200xf32>
    %stack3A_527 = vector.shape_cast %sub3A_182 : vector<32x200xf32> to vector<1x32x200xf32>
    %stack3A_528 = vector.shape_cast %sub3A_189 : vector<32x200xf32> to vector<1x32x200xf32>
    %stack3A_529 = vector.shape_cast %sub3A_196 : vector<32x200xf32> to vector<1x32x200xf32>
    %stack3A_530 = vector.shape_cast %sub3A_203 : vector<32x200xf32> to vector<1x32x200xf32>
    %stack3A_531 = vector.shape_cast %sub3A_210 : vector<32x200xf32> to vector<1x32x200xf32>
    %stack3A_532 = vector.shape_cast %sub3A_217 : vector<32x200xf32> to vector<1x32x200xf32>
    %stack3A_533 = vector.shape_cast %cos3A_222 : vector<32x200xf32> to vector<1x32x200xf32>
    %stack3A_534 = vector.shape_cast %sub3A_229 : vector<32x200xf32> to vector<1x32x200xf32>
    %stack3A_535 = vector.shape_cast %sub3A_236 : vector<32x200xf32> to vector<1x32x200xf32>
    %stack3A_536 = vector.shape_cast %sub3A_243 : vector<32x200xf32> to vector<1x32x200xf32>
    %stack3A_537 = vector.shape_cast %sub3A_250 : vector<32x200xf32> to vector<1x32x200xf32>
    %stack3A_538 = vector.shape_cast %sub3A_257 : vector<32x200xf32> to vector<1x32x200xf32>
    %stack3A_539 = vector.shape_cast %sub3A_264 : vector<32x200xf32> to vector<1x32x200xf32>
    %stack3A_540 = vector.shape_cast %sub3A_271 : vector<32x200xf32> to vector<1x32x200xf32>
    %stack3A_541 = vector.shape_cast %sub3A_278 : vector<32x200xf32> to vector<1x32x200xf32>
    %stack3A_542 = vector.shape_cast %sub3A_285 : vector<32x200xf32> to vector<1x32x200xf32>
    %stack3A_543 = vector.shape_cast %sub3A_292 : vector<32x200xf32> to vector<1x32x200xf32>
    %stack3A_544 = vector.shape_cast %sub3A_299 : vector<32x200xf32> to vector<1x32x200xf32>
    %stack3A_545 = vector.shape_cast %sub3A_306 : vector<32x200xf32> to vector<1x32x200xf32>
    %stack3A_546 = vector.shape_cast %sub3A_313 : vector<32x200xf32> to vector<1x32x200xf32>
    %stack3A_547 = vector.shape_cast %sub3A_320 : vector<32x200xf32> to vector<1x32x200xf32>
    %stack3A_548 = vector.shape_cast %sub3A_327 : vector<32x200xf32> to vector<1x32x200xf32>
    %stack3A_549 = vector.shape_cast %cos3A_332 : vector<32x200xf32> to vector<1x32x200xf32>
    %stack3A_550 = vector.shape_cast %sub3A_339 : vector<32x200xf32> to vector<1x32x200xf32>
    %stack3A_551 = vector.shape_cast %sub3A_346 : vector<32x200xf32> to vector<1x32x200xf32>
    %stack3A_552 = vector.shape_cast %sub3A_353 : vector<32x200xf32> to vector<1x32x200xf32>
    %stack3A_553 = vector.shape_cast %sub3A_360 : vector<32x200xf32> to vector<1x32x200xf32>
    %stack3A_554 = vector.shape_cast %sub3A_367 : vector<32x200xf32> to vector<1x32x200xf32>
    %stack3A_555 = vector.shape_cast %sub3A_374 : vector<32x200xf32> to vector<1x32x200xf32>
    %stack3A_556 = vector.shape_cast %sub3A_381 : vector<32x200xf32> to vector<1x32x200xf32>
    %stack3A_557 = vector.shape_cast %sub3A_388 : vector<32x200xf32> to vector<1x32x200xf32>
    %stack3A_558 = vector.shape_cast %sub3A_395 : vector<32x200xf32> to vector<1x32x200xf32>
    %stack3A_559 = vector.shape_cast %sub3A_402 : vector<32x200xf32> to vector<1x32x200xf32>
    %stack3A_560 = vector.shape_cast %sub3A_409 : vector<32x200xf32> to vector<1x32x200xf32>
    %stack3A_561 = vector.shape_cast %sub3A_416 : vector<32x200xf32> to vector<1x32x200xf32>
    %stack3A_562 = vector.shape_cast %sub3A_423 : vector<32x200xf32> to vector<1x32x200xf32>
    %stack3A_563 = vector.shape_cast %sub3A_430 : vector<32x200xf32> to vector<1x32x200xf32>
    %stack3A_564 = vector.shape_cast %sub3A_437 : vector<32x200xf32> to vector<1x32x200xf32>
    %stack3A_565 = tpu.concatenate %stack3A, %stack3A_438, %stack3A_439, %stack3A_440, %stack3A_441, %stack3A_442, %stack3A_443, %stack3A_444, %stack3A_445, %stack3A_446, %stack3A_447, %stack3A_448, %stack3A_449, %stack3A_450, %stack3A_451, %stack3A_452, %stack3A_453, %stack3A_454, %stack3A_455, %stack3A_456, %stack3A_457, %stack3A_458, %stack3A_459, %stack3A_460, %stack3A_461, %stack3A_462, %stack3A_463, %stack3A_464, %stack3A_465, %stack3A_466, %stack3A_467, %stack3A_468, %stack3A_469, %stack3A_470, %stack3A_471, %stack3A_472, %stack3A_473, %stack3A_474, %stack3A_475, %stack3A_476, %stack3A_477, %stack3A_478, %stack3A_479, %stack3A_480, %stack3A_481, %stack3A_482, %stack3A_483, %stack3A_484, %stack3A_485, %stack3A_486, %stack3A_487, %stack3A_488, %stack3A_489, %stack3A_490, %stack3A_491, %stack3A_492, %stack3A_493, %stack3A_494, %stack3A_495, %stack3A_496, %stack3A_497, %stack3A_498, %stack3A_499, %stack3A_500, %stack3A_501, %stack3A_502, %stack3A_503, %stack3A_504, %stack3A_505, %stack3A_506, %stack3A_507, %stack3A_508, %stack3A_509, %stack3A_510, %stack3A_511, %stack3A_512, %stack3A_513, %stack3A_514, %stack3A_515, %stack3A_516, %stack3A_517, %stack3A_518, %stack3A_519, %stack3A_520, %stack3A_521, %stack3A_522, %stack3A_523, %stack3A_524, %stack3A_525, %stack3A_526, %stack3A_527, %stack3A_528, %stack3A_529, %stack3A_530, %stack3A_531, %stack3A_532, %stack3A_533, %stack3A_534, %stack3A_535, %stack3A_536, %stack3A_537, %stack3A_538, %stack3A_539, %stack3A_540, %stack3A_541, %stack3A_542, %stack3A_543, %stack3A_544, %stack3A_545, %stack3A_546, %stack3A_547, %stack3A_548, %stack3A_549, %stack3A_550, %stack3A_551, %stack3A_552, %stack3A_553, %stack3A_554, %stack3A_555, %stack3A_556, %stack3A_557, %stack3A_558, %stack3A_559, %stack3A_560, %stack3A_561, %stack3A_562, %stack3A_563, %stack3A_564 in 0 : vector<1x32x200xf32>, vector<1x32x200xf32>, vector<1x32x200xf32>, vector<1x32x200xf32>, vector<1x32x200xf32>, vector<1x32x200xf32>, vector<1x32x200xf32>, vector<1x32x200xf32>, vector<1x32x200xf32>, vector<1x32x200xf32>, vector<1x32x200xf32>, vector<1x32x200xf32>, vector<1x32x200xf32>, vector<1x32x200xf32>, vector<1x32x200xf32>, vector<1x32x200xf32>, vector<1x32x200xf32>, vector<1x32x200xf32>, vector<1x32x200xf32>, vector<1x32x200xf32>, vector<1x32x200xf32>, vector<1x32x200xf32>, vector<1x32x200xf32>, vector<1x32x200xf32>, vector<1x32x200xf32>, vector<1x32x200xf32>, vector<1x32x200xf32>, vector<1x32x200xf32>, vector<1x32x200xf32>, vector<1x32x200xf32>, vector<1x32x200xf32>, vector<1x32x200xf32>, vector<1x32x200xf32>, vector<1x32x200xf32>, vector<1x32x200xf32>, vector<1x32x200xf32>, vector<1x32x200xf32>, vector<1x32x200xf32>, vector<1x32x200xf32>, vector<1x32x200xf32>, vector<1x32x200xf32>, vector<1x32x200xf32>, vector<1x32x200xf32>, vector<1x32x200xf32>, vector<1x32x200xf32>, vector<1x32x200xf32>, vector<1x32x200xf32>, vector<1x32x200xf32>, vector<1x32x200xf32>, vector<1x32x200xf32>, vector<1x32x200xf32>, vector<1x32x200xf32>, vector<1x32x200xf32>, vector<1x32x200xf32>, vector<1x32x200xf32>, vector<1x32x200xf32>, vector<1x32x200xf32>, vector<1x32x200xf32>, vector<1x32x200xf32>, vector<1x32x200xf32>, vector<1x32x200xf32>, vector<1x32x200xf32>, vector<1x32x200xf32>, vector<1x32x200xf32>, vector<1x32x200xf32>, vector<1x32x200xf32>, vector<1x32x200xf32>, vector<1x32x200xf32>, vector<1x32x200xf32>, vector<1x32x200xf32>, vector<1x32x200xf32>, vector<1x32x200xf32>, vector<1x32x200xf32>, vector<1x32x200xf32>, vector<1x32x200xf32>, vector<1x32x200xf32>, vector<1x32x200xf32>, vector<1x32x200xf32>, vector<1x32x200xf32>, vector<1x32x200xf32>, vector<1x32x200xf32>, vector<1x32x200xf32>, vector<1x32x200xf32>, vector<1x32x200xf32>, vector<1x32x200xf32>, vector<1x32x200xf32>, vector<1x32x200xf32>, vector<1x32x200xf32>, vector<1x32x200xf32>, vector<1x32x200xf32>, vector<1x32x200xf32>, vector<1x32x200xf32>, vector<1x32x200xf32>, vector<1x32x200xf32>, vector<1x32x200xf32>, vector<1x32x200xf32>, vector<1x32x200xf32>, vector<1x32x200xf32>, vector<1x32x200xf32>, vector<1x32x200xf32>, vector<1x32x200xf32>, vector<1x32x200xf32>, vector<1x32x200xf32>, vector<1x32x200xf32>, vector<1x32x200xf32>, vector<1x32x200xf32>, vector<1x32x200xf32>, vector<1x32x200xf32>, vector<1x32x200xf32>, vector<1x32x200xf32>, vector<1x32x200xf32>, vector<1x32x200xf32>, vector<1x32x200xf32>, vector<1x32x200xf32>, vector<1x32x200xf32>, vector<1x32x200xf32>, vector<1x32x200xf32>, vector<1x32x200xf32>, vector<1x32x200xf32>, vector<1x32x200xf32>, vector<1x32x200xf32>, vector<1x32x200xf32>, vector<1x32x200xf32>, vector<1x32x200xf32>, vector<1x32x200xf32>, vector<1x32x200xf32>, vector<1x32x200xf32>, vector<1x32x200xf32> -> vector<128x32x200xf32>
    %iota3A = tpu.iota {dimensions = array<i32: 0>} : vector<128x128xi32>
    %iota3A_566 = tpu.iota {dimensions = array<i32: 1>} : vector<128x128xi32>
    %eq3A = arith.cmpi eq, %iota3A, %iota3A_566 : vector<128x128xi32>
    %convert_element_type3A_567 = arith.extui %eq3A : vector<128x128xi1> to vector<128x128xi32>
    %convert_element_type3A_568 = arith.sitofp %convert_element_type3A_567 : vector<128x128xi32> to vector<128x128xf32>
    %dot_general3A = arith.constant dense<0.000000e+00> : vector<32x200x128xf32>
    %dot_general3A_569 = tpu.matmul %stack3A_565, %convert_element_type3A_568, %dot_general3A {dimension_numbers = #tpu.dot_dimension_numbers<[0], [0], [1, 2], [1], [0, 1, 0, 2, 1, 1], [], []>, transpose_lhs_hint = false} : vector<128x32x200xf32>, vector<128x128xf32>, vector<32x200x128xf32> -> vector<32x200x128xf32>
    %reshape3A = vector.shape_cast %dot_general3A_569 : vector<32x200x128xf32> to vector<32x25x8x128xf32>
    %iota3A_570 = tpu.iota {dimensions = array<i32: 2>} : vector<32x25x8x128xi32>
    %eq3A_571 = arith.constant 0 : i32
    %eq3A_572 = vector.broadcast %eq3A_571 : i32 to vector<32x25x8x128xi32>
    %eq3A_573 = arith.cmpi eq, %iota3A_570, %eq3A_572 : vector<32x25x8x128xi32>
    %get3A_574 = arith.constant 0 : index
    %get3A_575 = arith.constant 0 : index
    %get3A_576 = arith.constant 0 : index
    %get3A_577 = arith.constant 0 : index
    %get3A_578 = vector.load %arg2[%get3A_574, %get3A_575, %get3A_576, %get3A_577] : memref<32x25x1x128xf32, #tpu.memory_space<vmem>>, vector<32x25x1x128xf32>
    %broadcast_in_dim3A = vector.shape_cast %get3A_578 : vector<32x25x1x128xf32> to vector<32x25x1x128xf32>
    %broadcast_in_dim3A_579 = vector.broadcast %broadcast_in_dim3A : vector<32x25x1x128xf32> to vector<32x25x8x128xf32>
    %select_n3A = arith.select %eq3A_573, %broadcast_in_dim3A_579, %reshape3A : vector<32x25x8x128xi1>, vector<32x25x8x128xf32>
    %swap3A = arith.constant 0 : index
    %swap3A_580 = arith.constant 0 : index
    %swap3A_581 = arith.constant 0 : index
    %swap3A_582 = arith.constant 0 : index
    %swap3A_583 = vector.load %arg4[%swap3A, %swap3A_580, %swap3A_581, %swap3A_582] : memref<32x25x8x128xf32, #tpu.memory_space<vmem>>, vector<32x25x8x128xf32>
    tpu.vector_store %arg4[%swap3A, %swap3A_580, %swap3A_581, %swap3A_582], %select_n3A {strides = array<i32>} : memref<32x25x8x128xf32, #tpu.memory_space<vmem>>, vector<32x25x8x128xf32>,
    return
  }
  func.func @transform_0(%arg0: i32) -> (i32, i32) {
    %add3A = arith.constant 16 : i32
    %add3A_0 = arith.addi %arg0, %add3A : i32
    %c0_i32 = arith.constant 0 : i32
    %c0_i32_1 = arith.constant 0 : i32
    return %add3A_0, %c0_i32 : i32, i32
  }
  func.func @transform_1(%arg0: i32) -> (i32, i32, i32, i32) {
    %c0_i32 = arith.constant 0 : i32
    %c0_i32_0 = arith.constant 0 : i32
    %c0_i32_1 = arith.constant 0 : i32
    %c0_i32_2 = arith.constant 0 : i32
    return %arg0, %c0_i32, %c0_i32_0, %c0_i32_1 : i32, i32, i32, i32
  }
  func.func @transform_3(%arg0: i32) -> (i32, i32, i32, i32) {
    %add3A = arith.constant 16 : i32
    %add3A_0 = arith.addi %arg0, %add3A : i32
    %c0_i32 = arith.constant 0 : i32
    %c0_i32_1 = arith.constant 0 : i32
    %c0_i32_2 = arith.constant 0 : i32
    %c0_i32_3 = arith.constant 0 : i32
    return %add3A_0, %c0_i32, %c0_i32_1, %c0_i32_2 : i32, i32, i32, i32
  }
}

</mosaic_0001>

<sc_bundles>
// kernel: kernel.6.cloned.1.call-start
scs
__scs_entry_jumppad:
0x0: {  	(pc) =	sbr.rel $0x88, $3  }
0x1: {  	(tag) =	ssettag $0x0;
	lr =	simm.s32 $0x1  }
0x2: {  	[smem:$0x3F9F] =	sst lr;
	_ =	strace $0xD0000000  }
0x3: {  	_ = 	snop  }
0x4: {  	_ = 	snop  }
0x5: {  	_ = 	snop  }
0x6: {  	_ = 	snop  }
0x7: {  	_ = 	snop  }
__scs_overlays_trampoline_lowered:
0x8: {  	[smem:$0x3FAE] =	sst s0  }
0x9: {  	[smem:$0x3FAF] =	sst s1  }
0xa: {  	[smem:$0x3FB0] =	sst s2  }
0xb: {  	[smem:$0x3FB1] =	sst s3  }
0xc: {  	[smem:$0x3FB2] =	sst s4  }
0xd: {  	[smem:$0x3FB3] =	sst s5  }
0xe: {  	[smem:$0x3FB4] =	sst s6  }
0xf: {  	[smem:$0x3FB5] =	sst s7  }
0x10: {  	[smem:$0x3FB6] =	sst s8  }
0x11: {  	[smem:$0x3FB7] =	sst s9;
	s0 =	simm.s32 @!p0 $0x0  }
0x12: {  	s1 =	sld [smem:$0x3F9D];
	s0 =	simm.s32 @p0 $0x1  }
0x13: {  	[smem:$0x3FB8] =	sst s0;
	s0 =	simm.s32 @!p1 $0x0  }
0x14: {  	s2 =	sld [smem:$0x3F9C];
	s0 =	simm.s32 @p1 $0x1  }
0x15: {  	[smem:$0x3FB9] =	sst s0;
	s0 =	simm.s32 @!p2 $0x0  }
0x16: {  	s3 =	sld [smem:$0x3FDB];
	s0 =	simm.s32 @p2 $0x1  }
0x17: {  	s4 =	simm.s32 $0x1BF5;
	[smem:$0x3FBB] =	sst s0  }
0x18: {  	s0 =	sld [smem:$0x3F9E];
	_ =	swait.ge [sflag:s4], $0x0  }
0x19: {  	s7 =	sld [smem:$0x3F9F]  }
0x1a: {  	s8 =	sadd.s32 $0xFFFFE003, lr  }
0x1b: {  	s9 =	sadd.s32 $0xFFFFFEF7, lr;
	s5 =	simm.s32 $0xFFFFFFFF;
	p2 =	slt.u32 s8, $0xFFFFF086  }
0x1c: {  	p1 =	slt.u32 s9, $0xF7A;
	s5 =	simm.s32 @!p2 $0x0  }
0x1d: {  	s5 =	simm.s32 @p1 $0x1;
	p0 =	seq.s32 s7, s2  }
0x1e: {  	s7 =	smul.u32 @!p0 $0xF7A, s2;
	p2 =	seq.s32 @!p0 s5, $0x0  }
0x1f: {  	s9 =	smul.u32 $0xF7A, s1;
	s8 =	simm.s32 @!p0 $0x1BF5;
	p2 =	por !p2, p0  }
0x20: {  	[sflag:s8] =	ssyncset.s32 @!p0 $0xFFFFF086;
	s6 =	sadd.s32 @!p0 s3, s7;
	s7 =	simm.s32 @!p0 $0x108  }
0x21: {  	s3 =	sadd.s32 s3, s9;
	s6 =	sadd.s32 @!p0 $0x88, s6;
	s7 =	simm.s32 @p2 $0x1082  }
0x22: {  	[simem:s7], [sflag:s8] =	dma.local @!p0 [hbm:s6], $0xF7A  }
0x23: {  	s9 =	sor.u32 $0xD0000000, s2;
	s6 =	simm.s32 $0x108;
	_ =	swait.ge @!p0 [sflag:s8], $0x0  }
0x24: {  	s3 =	sadd.s32 $0x88, s3;
	s6 =	simm.s32 @!p1 $0x1082;
	[sflag:s4] =	ssyncset.s32 $0xFFFFF086  }
0x25: {  	[simem:s6], [sflag:s4] =	dma.local [hbm:s3], $0xF7A  }
0x26: {  	[smem:$0x3F9F] =	sst s1;
	(tag) =	ssettag s2;
	_ =	strace s9  }
0x27: {  	s1 =	sld [smem:$0x3FAF]  }
0x28: {  	s2 =	sld [smem:$0x3FB0]  }
0x29: {  	s4 =	sld [smem:$0x3FB2]  }
0x2a: {  	p0 =	seq.s32 s5, $0x0;
	s5 =	sld [smem:$0x3FB3]  }
0x2b: {  	s6 =	sld [smem:$0x3FB4]  }
0x2c: {  	s7 =	sld [smem:$0x3FB5]  }
0x2d: {  	s3 =	simm.s32 $0x108;
	s8 =	sld [smem:$0x3FB6]  }
0x2e: {  	s3 =	simm.s32 @!p0 $0x1082;
	s9 =	sld [smem:$0x3FB7]  }
0x2f: {  	lr =	sadd.s32 s0, s3;
	s0 =	sld [smem:$0x3FAE]  }
0x30: {  	s3 =	sld [smem:$0x3FB1]  }
0x31: {  	[smem:$0x3FBA] =	sst s10  }
0x32: {  	s10 =	sld [smem:$0x3FB8];
	_ =	sdelay $0x3  }
0x33: {  	p0 =	seq.s32 s10, $0x1;
	s10 =	sld [smem:$0x3FBA];
	_ =	sdelay $0x3  }
0x34: {  	[smem:$0x3FBA] =	sst s10  }
0x35: {  	s10 =	sld [smem:$0x3FB9];
	_ =	sdelay $0x3  }
0x36: {  	p1 =	seq.s32 s10, $0x1;
	s10 =	sld [smem:$0x3FBA];
	_ =	sdelay $0x3  }
0x37: {  	[smem:$0x3FBA] =	sst s10  }
0x38: {  	s10 =	sld [smem:$0x3FBB]  }
0x39: {  	_ = 	snop;
	(pc) =	sbr.ind lr, $3  }
0x3a: {  	_ = 	snop  }
0x3b: {  	_ = 	snop  }
0x3c: {  	p2 =	seq.s32 s10, $0x1;
	s10 =	sld [smem:$0x3FBA]  }
0x3d: {  	_ =	shalt  }
0x3e: {  	_ =	shalt  }
0x3f: {  	_ =	shalt  }
0x40: {  	_ =	shalt  }
0x41: {  	_ =	shalt  }
0x42: {  	_ =	shalt  }
0x43: {  	_ =	shalt  }
0x44: {  	_ =	shalt  }
0x45: {  	_ =	shalt  }
0x46: {  	_ =	shalt  }
0x47: {  	_ =	shalt  }
0x48: {  	_ =	shalt  }
0x49: {  	_ =	shalt  }
0x4a: {  	_ =	shalt  }
0x4b: {  	_ =	shalt  }
0x4c: {  	_ =	shalt  }
0x4d: {  	_ =	shalt  }
0x4e: {  	_ =	shalt  }
0x4f: {  	_ =	shalt  }
0x50: {  	_ =	shalt  }
0x51: {  	_ =	shalt  }
0x52: {  	_ =	shalt  }
0x53: {  	_ =	shalt  }
0x54: {  	_ =	shalt  }
0x55: {  	_ =	shalt  }
0x56: {  	_ =	shalt  }
0x57: {  	_ =	shalt  }
0x58: {  	_ =	shalt  }
0x59: {  	_ =	shalt  }
0x5a: {  	_ =	shalt  }
0x5b: {  	_ =	shalt  }
0x5c: {  	_ =	shalt  }
0x5d: {  	_ =	shalt  }
0x5e: {  	_ =	shalt  }
0x5f: {  	_ =	shalt  }
0x60: {  	_ =	shalt  }
0x61: {  	_ =	shalt  }
0x62: {  	_ =	shalt  }
0x63: {  	_ =	shalt  }
0x64: {  	_ =	shalt  }
0x65: {  	_ =	shalt  }
0x66: {  	_ =	shalt  }
0x67: {  	_ =	shalt  }
0x68: {  	_ =	shalt  }
0x69: {  	_ =	shalt  }
0x6a: {  	_ =	shalt  }
0x6b: {  	_ =	shalt  }
0x6c: {  	_ =	shalt  }
0x6d: {  	_ =	shalt  }
0x6e: {  	_ =	shalt  }
0x6f: {  	_ =	shalt  }
0x70: {  	_ =	shalt  }
0x71: {  	_ =	shalt  }
0x72: {  	_ =	shalt  }
0x73: {  	_ =	shalt  }
0x74: {  	_ =	shalt  }
0x75: {  	_ =	shalt  }
0x76: {  	_ =	shalt  }
0x77: {  	_ =	shalt  }
0x78: {  	_ =	shalt  }
0x79: {  	_ =	shalt  }
0x7a: {  	_ =	shalt  }
0x7b: {  	_ =	shalt  }
0x7c: {  	_ =	shalt  }
0x7d: {  	_ =	shalt  }
0x7e: {  	_ =	shalt  }
0x7f: {  	_ =	shalt  }
0x80: {  	_ =	shalt  }
0x81: {  	_ =	shalt  }
0x82: {  	_ =	shalt  }
0x83: {  	_ =	shalt  }
0x84: {  	_ =	shalt  }
0x85: {  	_ =	shalt  }
0x86: {  	_ =	shalt  }
0x87: {  	_ =	shalt  }
.Lfunc_end0:
.L_simem_size_0:
called_computation_lowered:
.L_overlay_start_0:
0x88: {  	s2 =	sld [smem:$0x3FD9]  }
0x89: {  	s3 =	sld [smem:$0x3FFE];
	_ =	sdelay $0x1  }
0x8a: {  	s1 =	srdreg.scid  }
0x8b: {  	s0 =	sand.u32 $0x1, s1  }
0x8c: {  	s17 =	sshll.u32 s0, $0xA;
	s2 =	sadd.s32 s3, s2  }
0x8d: {  	s2 =	sadd.s32 s2, s17  }
0x8e: {  	[smem:$0x3FC6] =	sst s2  }
0x8f: {  	_ = 	snop  }
0x90: {  	s2 =	sld [smem:$0x3FC8]  }
0x91: {  	s18 =	sld [smem:$0x3FD0];
	(tm) =	ssettm $0x1  }
0x92: {  	s4 =	sld [smem:$0x3FFB];
	_ =	sdelay $0x3  }
0x93: {  	_ =	strace s4  }
0x94: {  	s4 =	sld [smem:$0x3FFC];
	_ =	sdelay $0x3  }
0x95: {  	_ =	strace s4  }
0x96: {  	s4 =	sld [smem:$0x3FFD];
	_ =	sdelay $0x3  }
0x97: {  	_ =	strace s4  }
0x98: {  	_ =	strace $0x8FFFFFFF  }
0x99: {  	s19 =	sld [smem:$0x3FDB];
	_ =	sdelay $0x1  }
0x9a: {  	s5 =	simm.s32 $_scs_section_size  }
0x9b: {  	s6 =	simm.s32 $_size__tile_overlayer_lowered;
	s7 =	simm.s32 $_tile_overlayer_lowered  }
0x9c: {  	s22 =	simm.s32 $0x1BFF;
	s21 =	sshll.u32 s7, $0x1;
	s4 =	sadd.s32 s5, s19  }
0x9d: {  	s8 =	simm.s32 $0x0;
	s20 =	sshll.u32 s6, $0x1;
	s6 =	sadd.s32 s21, s4  }
0x9e: {  	[timem:s8], [sflag:s22] =	dma.local [hbm:s6], s20  }
0x9f: {  	_ =	swait.ge [sflag:s22], s20  }
0xa0: {  	s5 =	ssub.s32 $0x0, s20;
	[sflag:s22] =	ssyncset.done $0x0  }
0xa1: {  	[sflag:s22] =	ssyncadd.s32 s5;
	_ =	sdelay $0x1  }
0xa2: {  	s23 =	simm.s32 $0x1B8B  }
0xa3: {  	_ =	swait.ge [sflag:s23], $0x1  }
0xa4: {  	[sflag:s23] =	ssyncset.done $0x0  }
0xa5: {  	s25 =	simm.s32 $0x1B8E;
	s24 =	sld [smem:$0x3FFE];
	[sflag:s23] =	ssyncadd.s32 $0xFFFFFFFF  }
0xa6: {  	s26 =	simm.s32 $execute0_lowered;
	[smem:$0x3FD2] =	sst s25  }
0xa7: {  	s6 =	sshll.u32 s26, $0x1;
	_ =	strace $0x80000046;
	[dreg:$0x1] =	wrdreg $0xFFFFFFFF  }
0xa8: {  	s28 =	simm.s32 $_size_execute0_lowered;
	s4 =	sadd.s32 s4, s6;
	[dreg:$0x0] =	wrdreg $0x0  }
0xa9: {  	s6 =	sshll.u32 s28, $0x1;
	[dreg:$0x2] =	wrdreg s4  }
0xaa: {  	[dreg:$0x3] =	wrdreg s6  }
0xab: {  	[dreg:$0x4] =	wrdreg $0xC0  }
0xac: {  	_ =	task [dreg:s8], $0x5FFFF  }
0xad: {  	[dreg:$0x1] =	wrdreg $0xFFFFFFFF  }
0xae: {  	[dreg:$0x0] =	wrdreg $0x60  }
0xaf: {  	[dreg:$0x2] =	wrdreg s24  }
0xb0: {  	[dreg:$0x3] =	wrdreg s2  }
0xb1: {  	[dreg:$0x4] =	wrdreg s18  }
0xb2: {  	[dreg:$0x5] =	wrdreg $0x9  }
0xb3: {  	_ =	task.clear_ibuf [dreg:s8], $0x6FFFF;
	_ =	strace $0x90000046  }
0xb4: {  	s29 =	simm.s32 $0x9;
	_ =	strace $0x80000048  }
0xb5: {  	_ =	swait.ge [sflag:s29], $0x1  }
0xb6: {  	[sflag:s29] =	ssyncadd.s32 $0xFFFFFFFF  }
0xb7: {  	_ =	strace $0x90000048  }
0xb8: {  	_ =	sfence  }
0xb9: {  	s30 =	sld [smem:$0x0];
	_ =	sdelay $0x2  }
0xba: {  	s31 =	sshll.u32 s1, $0xD;
	s1 =	sshrl.u32 s1, $0x2  }
0xbb: {  	s3 =	sand.u32 $0x4000, s31;
	s1 =	sadd.s32 s1, s30  }
0xbc: {  	s0 =	sor.u32 s3, s0;
	s1 =	sshll.u32 s1, $0x11  }
0xbd: {  	s0 =	sor.u32 s1, s0  }
0xbe: {  	s0 =	sadd.s32 $0x8F2B, s0  }
0xbf: {  	[sflag:s0] =	ssyncadd.remote.s32 $0x1  }
0xc0: {  	_ =	sfence.sel $0xFFFF  }
0xc1: {  	[dreg:$0x0] =	wrdreg $0xFFFFFFFF;
	(pc) =	sbr.abs _section_cstart, $3  }
0xc2: {  	[dreg:$0x1] =	wrdreg $0xFFFFFFFF  }
0xc3: {  	_ =	task.clear_ibuf [dreg:s8], $0x2FFFF;
	_ =	strace $0x9FFFFFFF  }
0xc4: {  	(tm) =	ssettm $0x7FFFFFFF  }
0xc5: {  	_ =	shalt  }
tec
execute0_lowered:
.L_overlay_start_1:
0x0: {  	(tag) =	ssettag $0x1  }
0x1: {  	s4 =	rddreg [dreg:$0x0]  }
0x2: {  	s1 =	srdreg.scid;
	s0 =	stileid.u32  }
0x3: {  	s2 =	rddreg [dreg:$0x1];
	s17 =	sand.u32 $0x1, s1;
	s30 =	sshll.u32 s0, $0x1  }
0x4: {  	s18 =	rddreg [dreg:$0x2];
	s19 =	sor.u32 s17, s30  }
0x5: {  	s3 =	simm.s32 $0x0;
	s1 =	rddreg [dreg:$0x3];
	s5 =	sshll.u32 s19, $0x7  }
0x6: {  	[smem:$0x7FF] =	sst s3;
	s4 =	sadd.s32 s5, s4  }
0x7: {  	_ =	strace $0x80000047;
	s5 =	sadd.s32 $0xE00, s4;
	s4 =	simm.s32 $0x2  }
0x8: {  	[tilespmem:s3], [sflag:$0x2] =	stream.linear.gather [hbm4b:s5+s3], $0x280, $0x38;
	[tilespmem:$0xCC00] =	vst v63  }
0x9: {  	_ =	swait.ge [sflag:s4], $0x280  }
0xa: {  	[sflag:s4] =	ssyncset.done $0x0  }
0xb: {  	s6 =	simm.s32 $0x50;
	s7 =	simm.s32 $0x400;
	[sflag:s4] =	ssyncadd.s32 $0xFFFFFD80  }
0xc: {  	[tilespmem:s7], [sflag:$0x1] =	stream.indirect.gather [hbm4b:s2+s6], $0x80, s3, s6, $0xb8;
	[tilespmem:$0xCC00] =	vst v63  }
0xd: {  	s8 =	simm.s32 $0x80;
	s9 =	simm.s32 $0x2C00  }
0xe: {  	[tilespmem:s9], [sflag:$0x1] =	stream.indirect.gather [hbm4b:s2+s6], $0x80, s8, s6, $0xb8;
	[tilespmem:$0xCC00] =	vst v63  }
0xf: {  	s10 =	simm.s32 $0x100;
	s11 =	simm.s32 $0x5400  }
0x10: {  	[tilespmem:s11], [sflag:$0x1] =	stream.indirect.gather [hbm4b:s2+s6], $0x80, s10, s6, $0xb8;
	[tilespmem:$0xCC00] =	vst v63  }
0x11: {  	s12 =	simm.s32 $0x180;
	s13 =	simm.s32 $0x7C00  }
0x12: {  	[tilespmem:s13], [sflag:$0x1] =	stream.indirect.gather [hbm4b:s2+s6], $0x80, s12, s6, $0xb8;
	[tilespmem:$0xCC00] =	vst v63  }
0x13: {  	s14 =	simm.s32 $0x200;
	s15 =	simm.s32 $0xA400;
	s16 =	simm.s32 $0x1  }
0x14: {  	[tilespmem:s15], [sflag:$0x1] =	stream.indirect.gather [hbm4b:s2+s6], $0x80, s14, s6, $0xb8;
	[tilespmem:$0xCC00] =	vst v63  }
0x15: {  	_ =	swait.ge [sflag:s16], $0x2800  }
0x16: {  	[sflag:s16] =	ssyncset.done $0x0  }
0x17: {  	[sflag:s16] =	ssyncadd.s32 $0xFFFFD800  }
0x18: {  	_ =	swait.ge [sflag:s16], $0x2800  }
0x19: {  	[sflag:s16] =	ssyncset.done $0x0  }
0x1a: {  	[sflag:s16] =	ssyncadd.s32 $0xFFFFD800  }
0x1b: {  	_ =	swait.ge [sflag:s16], $0x2800  }
0x1c: {  	[sflag:s16] =	ssyncset.done $0x0  }
0x1d: {  	s17 =	ssub.s32 $0x2, s17;
	[sflag:s16] =	ssyncadd.s32 $0xFFFFD800  }
0x1e: {  	s20 =	sshrl.u32 s17, $0x1;
	_ =	swait.ge [sflag:s16], $0x2800  }
0x1f: {  	s20 =	ssub.s32 s17, s20;
	[sflag:s16] =	ssyncset.done $0x0  }
0x20: {  	s31 =	smax.u32 s20, $0x1;
	[sflag:s16] =	ssyncadd.s32 $0xFFFFD800  }
0x21: {  	s19 =	smul.u32 $0x1900, s19;
	p0 =	sne.s32 s31, $0x1;
	_ =	swait.ge [sflag:s16], $0x2800  }
.Ltmp0:
0x22: {  	[sflag:s16] =	ssyncset.done $0x0;
	(pc) =	sbr.rel @!p0 .LBB2_2-.Ltmp0, $4  }
0x23: {  	s17 =	sadd.s32 s18, s19;
	[sflag:s16] =	ssyncadd.s32 $0xFFFFD800  }
0x24: {  	[hbm4b:s17+s3] =	stream.linear.scatter [tilespmem:s7], [sflag:$0x2], $0xC800, $0x38;
	[tilespmem:$0xCC00] =	vst v63  }
0x25: {  	_ =	swait.ge [sflag:s4], $0xC800  }
0x26: {  	s18 =	sadd.s32 $0xFFFFFFFF, s31;
	[sflag:s4] =	ssyncset.done $0x0  }
.LBB2_1:
0x27: {  	p0 =	sne.s32 s18, $0x1;
	s18 =	sadd.s32 $0xFFFFFFFF, s18;
	[sflag:s4] =	ssyncadd.s32 $0xFFFF3800  }
0x28: {  	[tilespmem:s3], [sflag:$0x2] =	stream.linear.gather [hbm4b:s5+s3], $0x280, $0x38;
	[tilespmem:$0xCC00] =	vst v63  }
0x29: {  	_ =	swait.ge [sflag:s4], $0x280  }
0x2a: {  	[sflag:s4] =	ssyncset.done $0x0  }
0x2b: {  	[sflag:s4] =	ssyncadd.s32 $0xFFFFFD80  }
0x2c: {  	[tilespmem:s7], [sflag:$0x1] =	stream.indirect.gather [hbm4b:s2+s6], $0x80, s3, s6, $0xb8;
	[tilespmem:$0xCC00] =	vst v63  }
0x2d: {  	_ = 	snop  }
0x2e: {  	[tilespmem:s9], [sflag:$0x1] =	stream.indirect.gather [hbm4b:s2+s6], $0x80, s8, s6, $0xb8;
	[tilespmem:$0xCC00] =	vst v63  }
0x2f: {  	_ = 	snop  }
0x30: {  	[tilespmem:s11], [sflag:$0x1] =	stream.indirect.gather [hbm4b:s2+s6], $0x80, s10, s6, $0xb8;
	[tilespmem:$0xCC00] =	vst v63  }
0x31: {  	_ = 	snop  }
0x32: {  	[tilespmem:s13], [sflag:$0x1] =	stream.indirect.gather [hbm4b:s2+s6], $0x80, s12, s6, $0xb8;
	[tilespmem:$0xCC00] =	vst v63  }
0x33: {  	_ = 	snop  }
0x34: {  	[tilespmem:s15], [sflag:$0x1] =	stream.indirect.gather [hbm4b:s2+s6], $0x80, s14, s6, $0xb8;
	[tilespmem:$0xCC00] =	vst v63  }
0x35: {  	_ =	swait.ge [sflag:s16], $0x2800  }
0x36: {  	[sflag:s16] =	ssyncset.done $0x0  }
0x37: {  	[sflag:s16] =	ssyncadd.s32 $0xFFFFD800  }
0x38: {  	_ =	swait.ge [sflag:s16], $0x2800  }
0x39: {  	[sflag:s16] =	ssyncset.done $0x0  }
0x3a: {  	[sflag:s16] =	ssyncadd.s32 $0xFFFFD800  }
0x3b: {  	_ =	swait.ge [sflag:s16], $0x2800  }
0x3c: {  	[sflag:s16] =	ssyncset.done $0x0  }
0x3d: {  	[sflag:s16] =	ssyncadd.s32 $0xFFFFD800  }
0x3e: {  	_ =	swait.ge [sflag:s16], $0x2800  }
0x3f: {  	[sflag:s16] =	ssyncset.done $0x0  }
0x40: {  	[sflag:s16] =	ssyncadd.s32 $0xFFFFD800  }
0x41: {  	_ =	swait.ge [sflag:s16], $0x2800  }
.Ltmp1:
0x42: {  	[sflag:s16] =	ssyncset.done $0x0;
	(pc) =	sbr.rel @p0 .LBB2_1-.Ltmp1, $4  }
0x43: {  	[sflag:s16] =	ssyncadd.s32 $0xFFFFD800  }
0x44: {  	[hbm4b:s17+s3] =	stream.linear.scatter [tilespmem:s7], [sflag:$0x2], $0xC800, $0x38;
	[tilespmem:$0xCC00] =	vst v63  }
0x45: {  	_ =	swait.ge [sflag:s4], $0xC800  }
0x46: {  	[sflag:s4] =	ssyncset.done $0x0  }
.LBB2_2:
0x47: {  	[sflag:s4] =	ssyncadd.s32 $0xFFFF3800  }
0x48: {  	_ =	sfence.sel $0x180000  }
0x49: {  	[bflag:$0x0] =	sbarrier.arrive $0xFFFF  }
0x4a: {  	p0 =	sne.s32 s0, $0x0;
	_ =	strace $0x90000047  }
0x4b: {  	s0 =	sadd.s32 @!p0 $0x100000, s1;
	[bflag:$0x2] =	sbarrier.arrive $0xFFFF  }
0x4c: {  	[sflag:s0] =	ssyncadd.tile.s32 @!p0 $0x1;
	_ =	shalt  }
.Lfunc_end2:
_tile_overlayer_lowered:
.L_overlay_start_2:
0x4d: {  	(tag) =	ssettag $0x2  }
0x4e: {  	s0 =	rddreg [dreg:$0x0];
	s2 =	stileid.u32  }
0x4f: {  	s1 =	rddreg [dreg:$0x1];
	p0 =	sne.s32 s2, $0x0  }
0x50: {  	s3 =	rddreg [dreg:$0x2];
	[bflag:$0x3] =	sbarrier.arrive $0xFFFF;
	s2 =	simm.s32 @!p0 $0x1C02  }
0x51: {  	[timem:s3], [sflag:s2] =	dma.local @!p0 [hbm:s0], s1  }
0x52: {  	s0 =	simm.s32 @!p0 $0x2  }
0x53: {  	_ =	swait.ge @!p0 [sflag:s0], s1  }
0x54: {  	s1 =	ssub.s32 @!p0 $0x0, s1;
	[sflag:s0] =	ssyncset.done @!p0 $0x0  }
0x55: {  	[sflag:s0] =	ssyncadd.s32 @!p0 s1  }
0x56: {  	[bflag:$0x3] =	sbarrier.arrive $0xFFFF  }
0x57: {  	_ =	shalt  }

// kernel: kernel.9.cloned.1.call-start
scs
__scs_entry_jumppad:
0x0: {  	(pc) =	sbr.rel $0x88, $3  }
0x1: {  	(tag) =	ssettag $0x0;
	lr =	simm.s32 $0x1  }
0x2: {  	[smem:$0x3F9F] =	sst lr;
	_ =	strace $0xD0000000  }
0x3: {  	_ = 	snop  }
0x4: {  	_ = 	snop  }
0x5: {  	_ = 	snop  }
0x6: {  	_ = 	snop  }
0x7: {  	_ = 	snop  }
__scs_overlays_trampoline_lowered:
0x8: {  	[smem:$0x3FAE] =	sst s0  }
0x9: {  	[smem:$0x3FAF] =	sst s1  }
0xa: {  	[smem:$0x3FB0] =	sst s2  }
0xb: {  	[smem:$0x3FB1] =	sst s3  }
0xc: {  	[smem:$0x3FB2] =	sst s4  }
0xd: {  	[smem:$0x3FB3] =	sst s5  }
0xe: {  	[smem:$0x3FB4] =	sst s6  }
0xf: {  	[smem:$0x3FB5] =	sst s7  }
0x10: {  	[smem:$0x3FB6] =	sst s8  }
0x11: {  	[smem:$0x3FB7] =	sst s9;
	s0 =	simm.s32 @!p0 $0x0  }
0x12: {  	s1 =	sld [smem:$0x3F9D];
	s0 =	simm.s32 @p0 $0x1  }
0x13: {  	[smem:$0x3FB8] =	sst s0;
	s0 =	simm.s32 @!p1 $0x0  }
0x14: {  	s2 =	sld [smem:$0x3F9C];
	s0 =	simm.s32 @p1 $0x1  }
0x15: {  	[smem:$0x3FB9] =	sst s0;
	s0 =	simm.s32 @!p2 $0x0  }
0x16: {  	s3 =	sld [smem:$0x3FDB];
	s0 =	simm.s32 @p2 $0x1  }
0x17: {  	s4 =	simm.s32 $0x1BF5;
	[smem:$0x3FBB] =	sst s0  }
0x18: {  	s0 =	sld [smem:$0x3F9E];
	_ =	swait.ge [sflag:s4], $0x0  }
0x19: {  	s7 =	sld [smem:$0x3F9F]  }
0x1a: {  	s8 =	sadd.s32 $0xFFFFE003, lr  }
0x1b: {  	s9 =	sadd.s32 $0xFFFFFEF7, lr;
	s5 =	simm.s32 $0xFFFFFFFF;
	p2 =	slt.u32 s8, $0xFFFFF086  }
0x1c: {  	p1 =	slt.u32 s9, $0xF7A;
	s5 =	simm.s32 @!p2 $0x0  }
0x1d: {  	s5 =	simm.s32 @p1 $0x1;
	p0 =	seq.s32 s7, s2  }
0x1e: {  	s7 =	smul.u32 @!p0 $0xF7A, s2;
	p2 =	seq.s32 @!p0 s5, $0x0  }
0x1f: {  	s9 =	smul.u32 $0xF7A, s1;
	s8 =	simm.s32 @!p0 $0x1BF5;
	p2 =	por !p2, p0  }
0x20: {  	[sflag:s8] =	ssyncset.s32 @!p0 $0xFFFFF086;
	s6 =	sadd.s32 @!p0 s3, s7;
	s7 =	simm.s32 @!p0 $0x108  }
0x21: {  	s3 =	sadd.s32 s3, s9;
	s6 =	sadd.s32 @!p0 $0x88, s6;
	s7 =	simm.s32 @p2 $0x1082  }
0x22: {  	[simem:s7], [sflag:s8] =	dma.local @!p0 [hbm:s6], $0xF7A  }
0x23: {  	s9 =	sor.u32 $0xD0000000, s2;
	s6 =	simm.s32 $0x108;
	_ =	swait.ge @!p0 [sflag:s8], $0x0  }
0x24: {  	s3 =	sadd.s32 $0x88, s3;
	s6 =	simm.s32 @!p1 $0x1082;
	[sflag:s4] =	ssyncset.s32 $0xFFFFF086  }
0x25: {  	[simem:s6], [sflag:s4] =	dma.local [hbm:s3], $0xF7A  }
0x26: {  	[smem:$0x3F9F] =	sst s1;
	(tag) =	ssettag s2;
	_ =	strace s9  }
0x27: {  	s1 =	sld [smem:$0x3FAF]  }
0x28: {  	s2 =	sld [smem:$0x3FB0]  }
0x29: {  	s4 =	sld [smem:$0x3FB2]  }
0x2a: {  	p0 =	seq.s32 s5, $0x0;
	s5 =	sld [smem:$0x3FB3]  }
0x2b: {  	s6 =	sld [smem:$0x3FB4]  }
0x2c: {  	s7 =	sld [smem:$0x3FB5]  }
0x2d: {  	s3 =	simm.s32 $0x108;
	s8 =	sld [smem:$0x3FB6]  }
0x2e: {  	s3 =	simm.s32 @!p0 $0x1082;
	s9 =	sld [smem:$0x3FB7]  }
0x2f: {  	lr =	sadd.s32 s0, s3;
	s0 =	sld [smem:$0x3FAE]  }
0x30: {  	s3 =	sld [smem:$0x3FB1]  }
0x31: {  	[smem:$0x3FBA] =	sst s10  }
0x32: {  	s10 =	sld [smem:$0x3FB8];
	_ =	sdelay $0x3  }
0x33: {  	p0 =	seq.s32 s10, $0x1;
	s10 =	sld [smem:$0x3FBA];
	_ =	sdelay $0x3  }
0x34: {  	[smem:$0x3FBA] =	sst s10  }
0x35: {  	s10 =	sld [smem:$0x3FB9];
	_ =	sdelay $0x3  }
0x36: {  	p1 =	seq.s32 s10, $0x1;
	s10 =	sld [smem:$0x3FBA];
	_ =	sdelay $0x3  }
0x37: {  	[smem:$0x3FBA] =	sst s10  }
0x38: {  	s10 =	sld [smem:$0x3FBB]  }
0x39: {  	_ = 	snop;
	(pc) =	sbr.ind lr, $3  }
0x3a: {  	_ = 	snop  }
0x3b: {  	_ = 	snop  }
0x3c: {  	p2 =	seq.s32 s10, $0x1;
	s10 =	sld [smem:$0x3FBA]  }
0x3d: {  	_ =	shalt  }
0x3e: {  	_ =	shalt  }
0x3f: {  	_ =	shalt  }
0x40: {  	_ =	shalt  }
0x41: {  	_ =	shalt  }
0x42: {  	_ =	shalt  }
0x43: {  	_ =	shalt  }
0x44: {  	_ =	shalt  }
0x45: {  	_ =	shalt  }
0x46: {  	_ =	shalt  }
0x47: {  	_ =	shalt  }
0x48: {  	_ =	shalt  }
0x49: {  	_ =	shalt  }
0x4a: {  	_ =	shalt  }
0x4b: {  	_ =	shalt  }
0x4c: {  	_ =	shalt  }
0x4d: {  	_ =	shalt  }
0x4e: {  	_ =	shalt  }
0x4f: {  	_ =	shalt  }
0x50: {  	_ =	shalt  }
0x51: {  	_ =	shalt  }
0x52: {  	_ =	shalt  }
0x53: {  	_ =	shalt  }
0x54: {  	_ =	shalt  }
0x55: {  	_ =	shalt  }
0x56: {  	_ =	shalt  }
0x57: {  	_ =	shalt  }
0x58: {  	_ =	shalt  }
0x59: {  	_ =	shalt  }
0x5a: {  	_ =	shalt  }
0x5b: {  	_ =	shalt  }
0x5c: {  	_ =	shalt  }
0x5d: {  	_ =	shalt  }
0x5e: {  	_ =	shalt  }
0x5f: {  	_ =	shalt  }
0x60: {  	_ =	shalt  }
0x61: {  	_ =	shalt  }
0x62: {  	_ =	shalt  }
0x63: {  	_ =	shalt  }
0x64: {  	_ =	shalt  }
0x65: {  	_ =	shalt  }
0x66: {  	_ =	shalt  }
0x67: {  	_ =	shalt  }
0x68: {  	_ =	shalt  }
0x69: {  	_ =	shalt  }
0x6a: {  	_ =	shalt  }
0x6b: {  	_ =	shalt  }
0x6c: {  	_ =	shalt  }
0x6d: {  	_ =	shalt  }
0x6e: {  	_ =	shalt  }
0x6f: {  	_ =	shalt  }
0x70: {  	_ =	shalt  }
0x71: {  	_ =	shalt  }
0x72: {  	_ =	shalt  }
0x73: {  	_ =	shalt  }
0x74: {  	_ =	shalt  }
0x75: {  	_ =	shalt  }
0x76: {  	_ =	shalt  }
0x77: {  	_ =	shalt  }
0x78: {  	_ =	shalt  }
0x79: {  	_ =	shalt  }
0x7a: {  	_ =	shalt  }
0x7b: {  	_ =	shalt  }
0x7c: {  	_ =	shalt  }
0x7d: {  	_ =	shalt  }
0x7e: {  	_ =	shalt  }
0x7f: {  	_ =	shalt  }
0x80: {  	_ =	shalt  }
0x81: {  	_ =	shalt  }
0x82: {  	_ =	shalt  }
0x83: {  	_ =	shalt  }
0x84: {  	_ =	shalt  }
0x85: {  	_ =	shalt  }
0x86: {  	_ =	shalt  }
0x87: {  	_ =	shalt  }
.Lfunc_end0:
.L_simem_size_0:
called_computation.1_lowered:
.L_overlay_start_0:
0x88: {  	s2 =	sld [smem:$0x3FD9]  }
0x89: {  	s3 =	sld [smem:$0x3FFE];
	_ =	sdelay $0x1  }
0x8a: {  	s1 =	srdreg.scid  }
0x8b: {  	s0 =	sand.u32 $0x1, s1  }
0x8c: {  	s17 =	sshll.u32 s0, $0xA;
	s2 =	sadd.s32 s3, s2  }
0x8d: {  	s2 =	sadd.s32 s2, s17  }
0x8e: {  	[smem:$0x3FC6] =	sst s2  }
0x8f: {  	_ = 	snop  }
0x90: {  	s18 =	sld [smem:$0x3FC8];
	(tm) =	ssettm $0x1  }
0x91: {  	s19 =	sld [smem:$0x3FFB];
	_ =	sdelay $0x3  }
0x92: {  	_ =	strace s19  }
0x93: {  	s2 =	sld [smem:$0x3FFC];
	_ =	sdelay $0x3  }
0x94: {  	_ =	strace s2  }
0x95: {  	s2 =	sld [smem:$0x3FFD];
	_ =	sdelay $0x3  }
0x96: {  	_ =	strace s2  }
0x97: {  	_ =	strace $0x8FFFFFFF  }
0x98: {  	s20 =	sld [smem:$0x3FDB];
	_ =	sdelay $0x1  }
0x99: {  	s4 =	simm.s32 $_scs_section_size  }
0x9a: {  	s5 =	simm.s32 $_size__tile_overlayer_lowered;
	s6 =	simm.s32 $_tile_overlayer_lowered  }
0x9b: {  	s7 =	simm.s32 $0x1BFF;
	s21 =	sshll.u32 s6, $0x1;
	s4 =	sadd.s32 s4, s20  }
0x9c: {  	s22 =	simm.s32 $0x0;
	s5 =	sshll.u32 s5, $0x1;
	s6 =	sadd.s32 s21, s4  }
0x9d: {  	[timem:s22], [sflag:s7] =	dma.local [hbm:s6], s5  }
0x9e: {  	_ =	swait.ge [sflag:s7], s5  }
0x9f: {  	s5 =	ssub.s32 $0x0, s5;
	[sflag:s7] =	ssyncset.done $0x0  }
0xa0: {  	[sflag:s7] =	ssyncadd.s32 s5;
	_ =	sdelay $0x1  }
0xa1: {  	s23 =	simm.s32 $0x1B8B  }
0xa2: {  	_ =	swait.ge [sflag:s23], $0x1  }
0xa3: {  	[sflag:s23] =	ssyncset.done $0x0  }
0xa4: {  	[sflag:s23] =	ssyncadd.s32 $0xFFFFFFFF  }
0xa5: {  	s5 =	sld [smem:$0x0]  }
0xa6: {  	s6 =	sand.u32 $0xFFFFFFFE, s1  }
0xa7: {  	p0 =	sne.s32 s1, s6  }
0xa8: {  	s6 =	sshll.u32 @p0 s6, $0xE  }
0xa9: {  	s6 =	sadd.s32 @p0 $0x11B8D, s6;
	s7 =	sshll.u32 @p0 s5, $0x11  }
0xaa: {  	s6 =	sor.u32 @p0 s7, s6  }
0xab: {  	[sflag:s6] =	ssyncadd.remote.s32 @p0 $0x1;
	_ =	sdelay $0x1  }
0xac: {  	s6 =	simm.s32 @p0 $0x1B8D  }
0xad: {  	_ =	swait.eq @p0 [sflag:s6], $0x1  }
0xae: {  	[sflag:s6] =	ssyncadd.s32 @p0 $0xFFFFFFFF  }
0xaf: {  	s7 =	sshll.u32 @!p0 s1, $0xE  }
0xb0: {  	s7 =	sor.u32 @!p0 $0x4000, s7;
	s6 =	simm.s32 @!p0 $0x1B8D  }
0xb1: {  	s5 =	sshll.u32 @!p0 s5, $0x11;
	s7 =	sadd.s32 @!p0 $0x11B8D, s7;
	_ =	swait.eq @!p0 [sflag:s6], $0x1  }
0xb2: {  	s5 =	sor.u32 @!p0 s5, s7;
	[sflag:s6] =	ssyncadd.s32 @!p0 $0xFFFFFFFF  }
0xb3: {  	s25 =	simm.s32 $0x1B8E;
	s24 =	sld [smem:$0x3FFE];
	[sflag:s5] =	ssyncadd.remote.s32 @!p0 $0x1  }
0xb4: {  	s26 =	simm.s32 $execute0_lowered;
	[smem:$0x3FD2] =	sst s25  }
0xb5: {  	s6 =	sshll.u32 s26, $0x1;
	_ =	strace $0x80000049;
	[dreg:$0x1] =	wrdreg $0xFFFFFFFF  }
0xb6: {  	s28 =	simm.s32 $_size_execute0_lowered;
	s4 =	sadd.s32 s4, s6;
	[dreg:$0x0] =	wrdreg $0x0  }
0xb7: {  	s6 =	sshll.u32 s28, $0x1;
	[dreg:$0x2] =	wrdreg s4  }
0xb8: {  	[dreg:$0x3] =	wrdreg s6  }
0xb9: {  	[dreg:$0x4] =	wrdreg $0xC0  }
0xba: {  	_ =	task [dreg:s22], $0x5FFFF  }
0xbb: {  	[dreg:$0x1] =	wrdreg $0xFFFFFFFF  }
0xbc: {  	[dreg:$0x0] =	wrdreg $0x60  }
0xbd: {  	[dreg:$0x2] =	wrdreg s24  }
0xbe: {  	[dreg:$0x3] =	wrdreg s18  }
0xbf: {  	[dreg:$0x4] =	wrdreg $0xA  }
0xc0: {  	_ =	task.clear_ibuf [dreg:s22], $0x5FFFF;
	_ =	strace $0x90000049  }
0xc1: {  	s29 =	simm.s32 $0xA;
	_ =	strace $0x8000004B  }
0xc2: {  	_ =	swait.ge [sflag:s29], $0x1  }
0xc3: {  	[sflag:s29] =	ssyncadd.s32 $0xFFFFFFFF  }
0xc4: {  	_ =	strace $0x9000004B  }
0xc5: {  	_ =	sfence  }
0xc6: {  	s30 =	sld [smem:$0x0];
	_ =	sdelay $0x2  }
0xc7: {  	s31 =	sshll.u32 s1, $0xD;
	s1 =	sshrl.u32 s1, $0x2  }
0xc8: {  	s4 =	sand.u32 $0x4000, s31;
	s1 =	sadd.s32 s1, s30  }
0xc9: {  	s0 =	sor.u32 s4, s0;
	s1 =	sshll.u32 s1, $0x11  }
0xca: {  	s0 =	sor.u32 s1, s0  }
0xcb: {  	s0 =	sadd.s32 $0x8F2B, s0  }
0xcc: {  	[sflag:s0] =	ssyncadd.remote.s32 $0x1  }
0xcd: {  	_ =	sfence.sel $0xFFFF  }
0xce: {  	[dreg:$0x0] =	wrdreg $0xFFFFFFFF;
	(pc) =	sbr.abs _section_cstart, $3  }
0xcf: {  	[dreg:$0x1] =	wrdreg $0xFFFFFFFF  }
0xd0: {  	_ =	task.clear_ibuf [dreg:s22], $0x2FFFF;
	_ =	strace $0x9FFFFFFF  }
0xd1: {  	(tm) =	ssettm $0x7FFFFFFF  }
tec
execute0_lowered:
.L_overlay_start_1:
0x0: {  	(tag) =	ssettag $0x1  }
0x1: {  	s1 =	srdreg.scid;
	s0 =	stileid.u32  }
0x2: {  	s17 =	rddreg [dreg:$0x0];
	s18 =	sand.u32 $0x1, s1;
	s31 =	sshll.u32 s0, $0x1  }
0x3: {  	s2 =	rddreg [dreg:$0x1];
	s19 =	sor.u32 s18, s31  }
0x4: {  	s3 =	simm.s32 $0x0;
	s1 =	rddreg [dreg:$0x2];
	s4 =	sshll.u32 s19, $0x7  }
0x5: {  	[smem:$0x7FF] =	sst s3;
	s4 =	sadd.s32 s4, s17  }
0x6: {  	_ =	strace $0x8000004A;
	s5 =	sadd.s32 $0x1E00, s4;
	s4 =	simm.s32 $0x2  }
0x7: {  	[tilespmem:s3], [sflag:$0x2] =	stream.linear.gather [hbm4b:s5+s3], $0x280, $0x38;
	[tilespmem:$0xCC00] =	vst v63  }
0x8: {  	_ =	swait.ge [sflag:s4], $0x280  }
0x9: {  	[sflag:s4] =	ssyncset.done $0x0  }
0xa: {  	s6 =	simm.s32 $0x50;
	s7 =	simm.s32 $0x400;
	[sflag:s4] =	ssyncadd.s32 $0xFFFFFD80  }
0xb: {  	[tilespmem:s7], [sflag:$0x1] =	stream.indirect.gather [hbm4b:s2+s6], $0x80, s3, s6, $0xb8;
	[tilespmem:$0xCC00] =	vst v63  }
0xc: {  	s8 =	simm.s32 $0x80;
	s9 =	simm.s32 $0x2C00  }
0xd: {  	[tilespmem:s9], [sflag:$0x1] =	stream.indirect.gather [hbm4b:s2+s6], $0x80, s8, s6, $0xb8;
	[tilespmem:$0xCC00] =	vst v63  }
0xe: {  	s10 =	simm.s32 $0x100;
	s11 =	simm.s32 $0x5400  }
0xf: {  	[tilespmem:s11], [sflag:$0x1] =	stream.indirect.gather [hbm4b:s2+s6], $0x80, s10, s6, $0xb8;
	[tilespmem:$0xCC00] =	vst v63  }
0x10: {  	s12 =	simm.s32 $0x180;
	s13 =	simm.s32 $0x7C00  }
0x11: {  	[tilespmem:s13], [sflag:$0x1] =	stream.indirect.gather [hbm4b:s2+s6], $0x80, s12, s6, $0xb8;
	[tilespmem:$0xCC00] =	vst v63  }
0x12: {  	s14 =	simm.s32 $0x200;
	s15 =	simm.s32 $0xA400;
	s16 =	simm.s32 $0x1  }
0x13: {  	[tilespmem:s15], [sflag:$0x1] =	stream.indirect.gather [hbm4b:s2+s6], $0x80, s14, s6, $0xb8;
	[tilespmem:$0xCC00] =	vst v63  }
0x14: {  	_ =	swait.ge [sflag:s16], $0x2800  }
0x15: {  	[sflag:s16] =	ssyncset.done $0x0  }
0x16: {  	[sflag:s16] =	ssyncadd.s32 $0xFFFFD800  }
0x17: {  	_ =	swait.ge [sflag:s16], $0x2800  }
0x18: {  	[sflag:s16] =	ssyncset.done $0x0  }
0x19: {  	[sflag:s16] =	ssyncadd.s32 $0xFFFFD800  }
0x1a: {  	_ =	swait.ge [sflag:s16], $0x2800  }
0x1b: {  	[sflag:s16] =	ssyncset.done $0x0  }
0x1c: {  	s18 =	ssub.s32 $0x2, s18;
	[sflag:s16] =	ssyncadd.s32 $0xFFFFD800  }
0x1d: {  	s20 =	sshrl.u32 s18, $0x1;
	_ =	swait.ge [sflag:s16], $0x2800  }
0x1e: {  	s18 =	ssub.s32 s18, s20;
	[sflag:s16] =	ssyncset.done $0x0  }
0x1f: {  	s19 =	smul.u32 $0x1900, s19;
	s18 =	smax.u32 s18, $0x1;
	[sflag:s16] =	ssyncadd.s32 $0xFFFFD800  }
0x20: {  	p0 =	sne.s32 s18, $0x1;
	_ =	swait.ge [sflag:s16], $0x2800  }
.Ltmp0:
0x21: {  	s17 =	sadd.s32 s19, s17;
	[sflag:s16] =	ssyncset.done $0x0;
	(pc) =	sbr.rel @!p0 .LBB2_2-.Ltmp0, $4  }
0x22: {  	s17 =	sadd.s32 $0x2E00, s17;
	[sflag:s16] =	ssyncadd.s32 $0xFFFFD800  }
0x23: {  	[hbm4b:s17+s3] =	stream.linear.scatter [tilespmem:s7], [sflag:$0x2], $0xC800, $0x38;
	[tilespmem:$0xCC00] =	vst v63  }
0x24: {  	_ =	swait.ge [sflag:s4], $0xC800  }
0x25: {  	s18 =	sadd.s32 $0xFFFFFFFF, s18;
	[sflag:s4] =	ssyncset.done $0x0  }
.LBB2_1:
0x26: {  	p0 =	sne.s32 s18, $0x1;
	s18 =	sadd.s32 $0xFFFFFFFF, s18;
	[sflag:s4] =	ssyncadd.s32 $0xFFFF3800  }
0x27: {  	[tilespmem:s3], [sflag:$0x2] =	stream.linear.gather [hbm4b:s5+s3], $0x280, $0x38;
	[tilespmem:$0xCC00] =	vst v63  }
0x28: {  	_ =	swait.ge [sflag:s4], $0x280  }
0x29: {  	[sflag:s4] =	ssyncset.done $0x0  }
0x2a: {  	[sflag:s4] =	ssyncadd.s32 $0xFFFFFD80  }
0x2b: {  	[tilespmem:s7], [sflag:$0x1] =	stream.indirect.gather [hbm4b:s2+s6], $0x80, s3, s6, $0xb8;
	[tilespmem:$0xCC00] =	vst v63  }
0x2c: {  	_ = 	snop  }
0x2d: {  	[tilespmem:s9], [sflag:$0x1] =	stream.indirect.gather [hbm4b:s2+s6], $0x80, s8, s6, $0xb8;
	[tilespmem:$0xCC00] =	vst v63  }
0x2e: {  	_ = 	snop  }
0x2f: {  	[tilespmem:s11], [sflag:$0x1] =	stream.indirect.gather [hbm4b:s2+s6], $0x80, s10, s6, $0xb8;
	[tilespmem:$0xCC00] =	vst v63  }
0x30: {  	_ = 	snop  }
0x31: {  	[tilespmem:s13], [sflag:$0x1] =	stream.indirect.gather [hbm4b:s2+s6], $0x80, s12, s6, $0xb8;
	[tilespmem:$0xCC00] =	vst v63  }
0x32: {  	_ = 	snop  }
0x33: {  	[tilespmem:s15], [sflag:$0x1] =	stream.indirect.gather [hbm4b:s2+s6], $0x80, s14, s6, $0xb8;
	[tilespmem:$0xCC00] =	vst v63  }
0x34: {  	_ =	swait.ge [sflag:s16], $0x2800  }
0x35: {  	[sflag:s16] =	ssyncset.done $0x0  }
0x36: {  	[sflag:s16] =	ssyncadd.s32 $0xFFFFD800  }
0x37: {  	_ =	swait.ge [sflag:s16], $0x2800  }
0x38: {  	[sflag:s16] =	ssyncset.done $0x0  }
0x39: {  	[sflag:s16] =	ssyncadd.s32 $0xFFFFD800  }
0x3a: {  	_ =	swait.ge [sflag:s16], $0x2800  }
0x3b: {  	[sflag:s16] =	ssyncset.done $0x0  }
0x3c: {  	[sflag:s16] =	ssyncadd.s32 $0xFFFFD800  }
0x3d: {  	_ =	swait.ge [sflag:s16], $0x2800  }
0x3e: {  	[sflag:s16] =	ssyncset.done $0x0  }
0x3f: {  	[sflag:s16] =	ssyncadd.s32 $0xFFFFD800  }
0x40: {  	_ =	swait.ge [sflag:s16], $0x2800  }
.Ltmp1:
0x41: {  	[sflag:s16] =	ssyncset.done $0x0;
	(pc) =	sbr.rel @p0 .LBB2_1-.Ltmp1, $4  }
0x42: {  	[sflag:s16] =	ssyncadd.s32 $0xFFFFD800  }
0x43: {  	[hbm4b:s17+s3] =	stream.linear.scatter [tilespmem:s7], [sflag:$0x2], $0xC800, $0x38;
	[tilespmem:$0xCC00] =	vst v63  }
0x44: {  	_ =	swait.ge [sflag:s4], $0xC800  }
0x45: {  	[sflag:s4] =	ssyncset.done $0x0  }
.LBB2_2:
0x46: {  	[sflag:s4] =	ssyncadd.s32 $0xFFFF3800  }
0x47: {  	_ =	sfence.sel $0x180000  }
0x48: {  	[bflag:$0x0] =	sbarrier.arrive $0xFFFF  }
0x49: {  	p0 =	sne.s32 s0, $0x0;
	_ =	strace $0x9000004A  }
0x4a: {  	s0 =	sadd.s32 @!p0 $0x100000, s1;
	[bflag:$0x2] =	sbarrier.arrive $0xFFFF  }
0x4b: {  	[sflag:s0] =	ssyncadd.tile.s32 @!p0 $0x1;
	_ =	shalt  }
.Lfunc_end2:
_tile_overlayer_lowered:
.L_overlay_start_2:
0x4c: {  	(tag) =	ssettag $0x2  }
0x4d: {  	s0 =	rddreg [dreg:$0x0];
	s2 =	stileid.u32  }
0x4e: {  	s1 =	rddreg [dreg:$0x1];
	p0 =	sne.s32 s2, $0x0  }
0x4f: {  	s3 =	rddreg [dreg:$0x2];
	[bflag:$0x3] =	sbarrier.arrive $0xFFFF;
	s2 =	simm.s32 @!p0 $0x1C02  }
0x50: {  	[timem:s3], [sflag:s2] =	dma.local @!p0 [hbm:s0], s1  }
0x51: {  	s0 =	simm.s32 @!p0 $0x2  }
0x52: {  	_ =	swait.ge @!p0 [sflag:s0], s1  }
0x53: {  	s1 =	ssub.s32 @!p0 $0x0, s1;
	[sflag:s0] =	ssyncset.done @!p0 $0x0  }
0x54: {  	[sflag:s0] =	ssyncadd.s32 @!p0 s1  }
0x55: {  	[bflag:$0x3] =	sbarrier.arrive $0xFFFF  }
0x56: {  	_ =	shalt  }

</sc_bundles>
